<compile_context>
chip_gen: v7x
topology: tpu7x:2x2x1
jax: 0.10.2.dev20260603
libtpu: 0.0.44.dev20260713+nightly
codegen_flags: <defaults>
</compile_context>

<pallas_src>
import jax
import jax.numpy as jnp
from jax import lax
from jax.experimental import pallas as pl
from jax.experimental.pallas import tpu as pltpu
from jax.experimental.pallas import tpu_sc as plsc

NC = 2
NS = 16
L = 16
CH = 128

N = 10000
E = 160000
D = 256
DH = D // NC
EP = 163840
NCHP = EP // CH
NPAD = 112
NA = N + NPAD
STRIPE = NA // NS
ZR = 128
CHUNKS = [128, 128, 128, 128, 120]


def _lin_scale_body(deg0_ref, deg1_ref, x_ref, w_ref, b_ref,
                    xt_ref, dis_ref, y2_ref):
    xt = (
        lax.dot_general(x_ref[...], w_ref[...], (((1,), (1,)), ((), ())),
                        preferred_element_type=jnp.float32)
        + b_ref[...]
    )
    xt_ref[...] = xt
    deg = deg0_ref[...] + deg1_ref[...]
    dis = jnp.where(deg > 0, lax.rsqrt(jnp.maximum(deg, 1.0)), 0.0)
    dis_ref[...] = dis
    y2_ref[...] = xt * dis


def _lin_scale(degp, x, W, b):
    bn = 1000
    nb = N // bn
    deg0 = degp[0, :N].reshape(N, 1)
    deg1 = degp[1, :N].reshape(N, 1)
    return pl.pallas_call(
        _lin_scale_body,
        grid=(NC, nb),
        in_specs=[
            pl.BlockSpec((bn, 1), lambda c, i: (i, 0)),
            pl.BlockSpec((bn, 1), lambda c, i: (i, 0)),
            pl.BlockSpec((bn, D), lambda c, i: (i, 0)),
            pl.BlockSpec((DH, D), lambda c, i: (c, 0)),
            pl.BlockSpec((1, DH), lambda c, i: (0, c)),
        ],
        out_specs=[
            pl.BlockSpec((bn, DH), lambda c, i: (i, c)),
            pl.BlockSpec((bn, 1), lambda c, i: (i, 0)),
            pl.BlockSpec((bn, DH), lambda c, i: (c * nb + i, 0)),
        ],
        out_shape=[
            jax.ShapeDtypeStruct((N, D), jnp.float32),
            jax.ShapeDtypeStruct((N, 1), jnp.float32),
            jax.ShapeDtypeStruct((NC * N, DH), jnp.float32),
        ],
    )(deg0, deg1, x, W, b.reshape(1, D))


def _deg_body(row2d, z1, out, idxb, ones_v, zbuf, deg_sp):
    c = lax.axis_index("c")
    s = lax.axis_index("s")
    wid = c * NS + s
    npt = NCHP // (NC * NS)

    @pl.when(s == 0)
    def _zero():
        pltpu.sync_copy(z1, zbuf)
        pltpu.sync_copy(zbuf, deg_sp)

    for k in range(CH // L):
        ones_v[pl.ds(k * L, L)] = jnp.ones((L,), jnp.float32)

    pltpu.sync_copy(row2d.at[pl.ds(wid * npt, npt)], idxb)
    plsc.subcore_barrier()

    def body(j, carry):
        pltpu.sync_copy(ones_v, deg_sp.at[idxb.at[j]], add=True)
        return carry

    lax.fori_loop(0, npt, body, 0)
    plsc.subcore_barrier()

    @pl.when(s == 0)
    def _dump():
        pltpu.sync_copy(deg_sp, zbuf)
        pltpu.sync_copy(zbuf, out.at[c])


def _deg(row2d, z1):
    mesh = plsc.VectorSubcoreMesh(
        core_axis_name="c", subcore_axis_name="s", num_cores=NC, num_subcores=NS
    )
    f = pl.kernel(
        _deg_body,
        out_type=jax.ShapeDtypeStruct((NC, NA), jnp.float32),
        mesh=mesh,
        scratch_types=[
            pltpu.VMEM((NCHP // (NC * NS), CH), jnp.int32),
            pltpu.VMEM((CH,), jnp.float32),
            pltpu.VMEM((NA,), jnp.float32),
            pltpu.VMEM_SHARED((NA,), jnp.float32),
        ],
    )
    return f(row2d, z1)


def _agg_body(y2, colcat, row2d, z2, out,
              colb, rowb, rows_a, rows_b, acc_sp,
              sem_ga, sem_gb, sem_sa, sem_sb):
    c = lax.axis_index("c")
    s = lax.axis_index("s")
    npt = NCHP // NS

    pltpu.sync_copy(z2, rows_a)
    off = 0
    for sz in CHUNKS:
        pltpu.async_copy(rows_a.at[pl.ds(0, sz)],
                         acc_sp.at[pl.ds(s * STRIPE + off, sz)], sem_sa)
        off += sz
    off = 0
    for sz in CHUNKS:
        pltpu.make_async_copy(rows_a.at[pl.ds(0, sz)],
                              acc_sp.at[pl.ds(s * STRIPE + off, sz)],
                              sem_sa).wait()
        off += sz

    plsc.subcore_barrier()

    nph = npt // 2
    nhalf = nph // 2
    for h in range(2):
        pltpu.sync_copy(colcat.at[pl.ds(c * NCHP + s * npt + h * nph, nph)],
                        colb)
        pltpu.sync_copy(row2d.at[pl.ds(s * npt + h * nph, nph)], rowb)
        pltpu.async_copy(y2.at[colb.at[0]], rows_a, sem_ga)

        def body(i, carry):
            ja = 2 * i
            jb = 2 * i + 1
            pltpu.async_copy(y2.at[colb.at[jb]], rows_b, sem_gb)
            pltpu.make_async_copy(y2.at[colb.at[ja]], rows_a, sem_ga).wait()
            pltpu.sync_copy(rows_a, acc_sp.at[rowb.at[ja]], add=True)

            @pl.when(i < nhalf - 1)
            def _next():
                pltpu.async_copy(y2.at[colb.at[ja + 2]], rows_a, sem_ga)

            pltpu.make_async_copy(y2.at[colb.at[jb]], rows_b, sem_gb).wait()
            pltpu.sync_copy(rows_b, acc_sp.at[rowb.at[jb]], add=True)
            return carry

        lax.fori_loop(0, nhalf, body, 0)
    plsc.subcore_barrier()

    off = 0
    for sz in CHUNKS:
        r0 = s * STRIPE + off
        pltpu.sync_copy(acc_sp.at[pl.ds(r0, sz)], rows_a.at[pl.ds(0, sz)])
        pltpu.sync_copy(rows_a.at[pl.ds(0, sz)], out.at[c, pl.ds(r0, sz)])
        off += sz


def _aggregate(y2, colcat, row2d, z2):
    mesh = plsc.VectorSubcoreMesh(
        core_axis_name="c", subcore_axis_name="s", num_cores=NC, num_subcores=NS
    )
    f = pl.kernel(
        _agg_body,
        out_type=jax.ShapeDtypeStruct((NC, NA, DH), jnp.float32),
        mesh=mesh,
        scratch_types=[
            pltpu.VMEM((NCHP // NS // 2, CH), jnp.int32),
            pltpu.VMEM((NCHP // NS // 2, CH), jnp.int32),
            pltpu.VMEM((CH, DH), jnp.float32),
            pltpu.VMEM((CH, DH), jnp.float32),
            pltpu.VMEM_SHARED((NA, DH), jnp.float32),
            pltpu.SemaphoreType.DMA,
            pltpu.SemaphoreType.DMA,
            pltpu.SemaphoreType.DMA,
            pltpu.SemaphoreType.DMA,
        ],
    )
    return f(y2, colcat, row2d, z2)


def _final_body(a0_ref, a1_ref, x_ref, dis_ref, slw_ref, o_ref):
    acc = jnp.concatenate([a0_ref[0], a1_ref[0]], axis=1)
    o_ref[...] = jnp.maximum(
        acc * dis_ref[...] + x_ref[...] * slw_ref[...], 0.0)


def _final(acc3, x_t, dis2, slw):
    bn = 1000
    nb = N // bn
    return pl.pallas_call(
        _final_body,
        grid=(nb,),
        in_specs=[
            pl.BlockSpec((1, bn, DH), lambda i: (0, i, 0)),
            pl.BlockSpec((1, bn, DH), lambda i: (1, i, 0)),
            pl.BlockSpec((bn, D), lambda i: (i, 0)),
            pl.BlockSpec((bn, 1), lambda i: (i, 0)),
            pl.BlockSpec((1, D), lambda i: (0, 0)),
        ],
        out_specs=pl.BlockSpec((bn, D), lambda i: (i, 0)),
        out_shape=jax.ShapeDtypeStruct((N, D), jnp.float32),
    )(acc3, acc3, x_t, dis2, slw.reshape(1, D))


def kernel(x, edge_index, W, b, self_loop_weight):
    row = edge_index[0]
    col = edge_index[1]
    npad_e = EP - E
    pad_rows = N + (jnp.arange(npad_e, dtype=jnp.int32) % NPAD)
    rowp = jnp.concatenate([row, pad_rows]).reshape(NCHP, CH)
    colp = jnp.concatenate([col, jnp.zeros(npad_e, jnp.int32)])
    colcat = jnp.concatenate([colp, colp + N]).reshape(NC * NCHP, CH)
    z1 = jnp.zeros((NA,), jnp.float32)
    z2 = jnp.zeros((ZR, DH), jnp.float32)

    degp = _deg(rowp, z1)
    x_t, dis2, y2 = _lin_scale(degp, x, W, b)
    acc3 = _aggregate(y2, colcat, rowp, z2)
    return _final(acc3, x_t, dis2, self_loop_weight)

# --- scband reference (transcript-rebuilt; emitter-appended) ---
"""Pipeline reference for scband-edge-aware-gcnconv-68693706932307 (READ-ONLY COPY).

The authoritative reference and input builder live on the scoring server;
editing this copy changes nothing except your own understanding.
"""

import jax, jax.numpy as jnp
import numpy as np

N = 10000
E = 160000
D_IN = 256
D_OUT = 256


def setup_inputs(seed: int = 0) -> dict:
    key = jax.random.key(seed)
    k1, k2, k3, k4, k5 = jax.random.split(key, 5)
    x = jax.random.normal(k1, (N, D_IN), dtype=jnp.float32)
    edge_index = jax.random.randint(k2, (2, E), 0, N, dtype=jnp.int32)
    # Parameters for nn.Linear(in_channels, out_channels)
    bound = 1.0 / np.sqrt(D_IN)
    W = jax.random.uniform(k3, (D_OUT, D_IN), dtype=jnp.float32, minval=-bound, maxval=bound)
    b = jax.random.uniform(k4, (D_OUT,), dtype=jnp.float32, minval=-bound, maxval=bound)
    self_loop_weight = 0.1 * jax.random.normal(k5, (D_OUT,), dtype=jnp.float32)
    return {"x": x, "edge_index": edge_index, "W": W, "b": b, "self_loop_weight": self_loop_weight}


def reference(x, edge_index, W, b, self_loop_weight):
    # x_transformed = self.lin_node(x)
    x_t = x @ W.T + b
    row = edge_index[0]
    col = edge_index[1]
    # degree via scatter-add of ones over row (src)
    deg = jnp.zeros((x.shape[0],), dtype=jnp.float32).at[row].add(1.0)
    deg_inv_sqrt = jnp.where(deg > 0, jnp.power(jnp.where(deg > 0, deg, 1.0), -0.5), 0.0)
    norm = deg_inv_sqrt[row] * deg_inv_sqrt[col]
    # scatter-add of normalized neighbor features into dst rows
    msgs = x_t[col] * norm[:, None]
    out = jnp.zeros_like(x_t).at[row].add(msgs)
    out = out + x_t * self_loop_weight[None, :]
    out = jax.nn.relu(out)
    # dropout is identity in eval mode
    return out

if __name__ == "__main__":
    import jax
    _d = setup_inputs()
    print(jax.jit(kernel)(*tuple(_d.values())))

</pallas_src>

<mosaic_0001>
#map = affine_map<(d0, d1) -> (0, 0)>
#map1 = affine_map<(d0, d1) -> (0)>
module attributes {stable_mosaic.version = 14 : i64} {
  func.func @_deg_body(%arg0: i32, %arg1: i32, %arg2: memref<1280x128xi32, #tpu.memory_space<hbm>>, %arg3: memref<10112xf32, #tpu.memory_space<hbm>>, %arg4: memref<2x10112xf32, #tpu.memory_space<hbm>>, %arg5: memref<40x128xi32, #tpu.memory_space<vmem>>, %arg6: memref<128xf32, #tpu.memory_space<vmem>>, %arg7: memref<10112xf32, #tpu.memory_space<vmem>>, %arg8: memref<10112xf32, #tpu.memory_space<vmem_shared>>) attributes {dimension_semantics = [#tpu.dimension_semantics<core_parallel>, #tpu.dimension_semantics<subcore_parallel>], iteration_bounds = array<i64: 2, 16>, scalar_prefetch = 0 : i64, scratch_operands = 4 : i64, tpu.core_type = #tpu.core_type<sc_vector_subcore>, window_params = [{transform_indices = #map}, {transform_indices = #map1}, {transform_indices = #map}]} {
    %mul3A = arith.constant 16 : i32
    %mul3A_0 = arith.muli %arg0, %mul3A : i32
    %add3A = arith.addi %mul3A_0, %arg1 : i32
    %eq3A = arith.constant 0 : i32
    %eq3A_1 = arith.cmpi eq, %arg1, %eq3A : i32
    %convert_element_type3A = arith.extui %eq3A_1 : i1 to i32
    %cond3A = arith.constant 0 : i32
    %cond3A_2 = arith.cmpi ne, %convert_element_type3A, %cond3A : i32
    scf.if %cond3A_2 {
      "tpu.region"() ({
        %run_scoped3A = tpu.sem_alloc : memref<!tpu.dma_semaphore, #tpu.memory_space<semaphore_mem>>
        tpu.enqueue_dma source(%arg3 : memref<10112xf32, #tpu.memory_space<hbm>>) target(%arg7 : memref<10112xf32, #tpu.memory_space<vmem>>) target_semaphore(%run_scoped3A : memref<!tpu.dma_semaphore, #tpu.memory_space<semaphore_mem>>)
        tpu.wait_dma2 semaphore(%run_scoped3A : memref<!tpu.dma_semaphore, #tpu.memory_space<semaphore_mem>>) src(%arg3 : memref<10112xf32, #tpu.memory_space<hbm>>) dst(%arg7 : memref<10112xf32, #tpu.memory_space<vmem>>)
        tpu.yield
      }) : () -> ()
      "tpu.region"() ({
        %run_scoped3A = tpu.sem_alloc : memref<!tpu.dma_semaphore, #tpu.memory_space<semaphore_mem>>
        tpu.enqueue_dma source(%arg7 : memref<10112xf32, #tpu.memory_space<vmem>>) target(%arg8 : memref<10112xf32, #tpu.memory_space<vmem_shared>>) target_semaphore(%run_scoped3A : memref<!tpu.dma_semaphore, #tpu.memory_space<semaphore_mem>>)
        tpu.wait_dma2 semaphore(%run_scoped3A : memref<!tpu.dma_semaphore, #tpu.memory_space<semaphore_mem>>) src(%arg7 : memref<10112xf32, #tpu.memory_space<vmem>>) dst(%arg8 : memref<10112xf32, #tpu.memory_space<vmem_shared>>)
        tpu.yield
      }) : () -> ()
    } else {
    }
    %broadcast_in_dim3A = arith.constant 1.000000e+00 : f32
    %broadcast_in_dim3A_3 = vector.broadcast %broadcast_in_dim3A : f32 to vector<16xf32>
    %swap3A = arith.constant 0 : index
    %swap3A_4 = tpu.vector_load %arg6[%swap3A] {strides = array<i32>} : memref<128xf32, #tpu.memory_space<vmem>>, vector<16xf32>,
    %swap3A_5 = vector.shape_cast %swap3A_4 : vector<16xf32> to vector<16xf32>
    %swap3A_6 = vector.shape_cast %broadcast_in_dim3A_3 : vector<16xf32> to vector<16xf32>
    tpu.vector_store %arg6[%swap3A], %swap3A_6 {strides = array<i32>} : memref<128xf32, #tpu.memory_space<vmem>>, vector<16xf32>,
    %broadcast_in_dim3A_7 = arith.constant 1.000000e+00 : f32
    %broadcast_in_dim3A_8 = vector.broadcast %broadcast_in_dim3A_7 : f32 to vector<16xf32>
    %swap3A_9 = arith.constant 16 : index
    %swap3A_10 = tpu.vector_load %arg6[%swap3A_9] {strides = array<i32>} : memref<128xf32, #tpu.memory_space<vmem>>, vector<16xf32>,
    %swap3A_11 = vector.shape_cast %swap3A_10 : vector<16xf32> to vector<16xf32>
    %swap3A_12 = vector.shape_cast %broadcast_in_dim3A_8 : vector<16xf32> to vector<16xf32>
    tpu.vector_store %arg6[%swap3A_9], %swap3A_12 {strides = array<i32>} : memref<128xf32, #tpu.memory_space<vmem>>, vector<16xf32>,
    %broadcast_in_dim3A_13 = arith.constant 1.000000e+00 : f32
    %broadcast_in_dim3A_14 = vector.broadcast %broadcast_in_dim3A_13 : f32 to vector<16xf32>
    %swap3A_15 = arith.constant 32 : index
    %swap3A_16 = tpu.vector_load %arg6[%swap3A_15] {strides = array<i32>} : memref<128xf32, #tpu.memory_space<vmem>>, vector<16xf32>,
    %swap3A_17 = vector.shape_cast %swap3A_16 : vector<16xf32> to vector<16xf32>
    %swap3A_18 = vector.shape_cast %broadcast_in_dim3A_14 : vector<16xf32> to vector<16xf32>
    tpu.vector_store %arg6[%swap3A_15], %swap3A_18 {strides = array<i32>} : memref<128xf32, #tpu.memory_space<vmem>>, vector<16xf32>,
    %broadcast_in_dim3A_19 = arith.constant 1.000000e+00 : f32
    %broadcast_in_dim3A_20 = vector.broadcast %broadcast_in_dim3A_19 : f32 to vector<16xf32>
    %swap3A_21 = arith.constant 48 : index
    %swap3A_22 = tpu.vector_load %arg6[%swap3A_21] {strides = array<i32>} : memref<128xf32, #tpu.memory_space<vmem>>, vector<16xf32>,
    %swap3A_23 = vector.shape_cast %swap3A_22 : vector<16xf32> to vector<16xf32>
    %swap3A_24 = vector.shape_cast %broadcast_in_dim3A_20 : vector<16xf32> to vector<16xf32>
    tpu.vector_store %arg6[%swap3A_21], %swap3A_24 {strides = array<i32>} : memref<128xf32, #tpu.memory_space<vmem>>, vector<16xf32>,
    %broadcast_in_dim3A_25 = arith.constant 1.000000e+00 : f32
    %broadcast_in_dim3A_26 = vector.broadcast %broadcast_in_dim3A_25 : f32 to vector<16xf32>
    %swap3A_27 = arith.constant 64 : index
    %swap3A_28 = tpu.vector_load %arg6[%swap3A_27] {strides = array<i32>} : memref<128xf32, #tpu.memory_space<vmem>>, vector<16xf32>,
    %swap3A_29 = vector.shape_cast %swap3A_28 : vector<16xf32> to vector<16xf32>
    %swap3A_30 = vector.shape_cast %broadcast_in_dim3A_26 : vector<16xf32> to vector<16xf32>
    tpu.vector_store %arg6[%swap3A_27], %swap3A_30 {strides = array<i32>} : memref<128xf32, #tpu.memory_space<vmem>>, vector<16xf32>,
    %broadcast_in_dim3A_31 = arith.constant 1.000000e+00 : f32
    %broadcast_in_dim3A_32 = vector.broadcast %broadcast_in_dim3A_31 : f32 to vector<16xf32>
    %swap3A_33 = arith.constant 80 : index
    %swap3A_34 = tpu.vector_load %arg6[%swap3A_33] {strides = array<i32>} : memref<128xf32, #tpu.memory_space<vmem>>, vector<16xf32>,
    %swap3A_35 = vector.shape_cast %swap3A_34 : vector<16xf32> to vector<16xf32>
    %swap3A_36 = vector.shape_cast %broadcast_in_dim3A_32 : vector<16xf32> to vector<16xf32>
    tpu.vector_store %arg6[%swap3A_33], %swap3A_36 {strides = array<i32>} : memref<128xf32, #tpu.memory_space<vmem>>, vector<16xf32>,
    %broadcast_in_dim3A_37 = arith.constant 1.000000e+00 : f32
    %broadcast_in_dim3A_38 = vector.broadcast %broadcast_in_dim3A_37 : f32 to vector<16xf32>
    %swap3A_39 = arith.constant 96 : index
    %swap3A_40 = tpu.vector_load %arg6[%swap3A_39] {strides = array<i32>} : memref<128xf32, #tpu.memory_space<vmem>>, vector<16xf32>,
    %swap3A_41 = vector.shape_cast %swap3A_40 : vector<16xf32> to vector<16xf32>
    %swap3A_42 = vector.shape_cast %broadcast_in_dim3A_38 : vector<16xf32> to vector<16xf32>
    tpu.vector_store %arg6[%swap3A_39], %swap3A_42 {strides = array<i32>} : memref<128xf32, #tpu.memory_space<vmem>>, vector<16xf32>,
    %broadcast_in_dim3A_43 = arith.constant 1.000000e+00 : f32
    %broadcast_in_dim3A_44 = vector.broadcast %broadcast_in_dim3A_43 : f32 to vector<16xf32>
    %swap3A_45 = arith.constant 112 : index
    %swap3A_46 = tpu.vector_load %arg6[%swap3A_45] {strides = array<i32>} : memref<128xf32, #tpu.memory_space<vmem>>, vector<16xf32>,
    %swap3A_47 = vector.shape_cast %swap3A_46 : vector<16xf32> to vector<16xf32>
    %swap3A_48 = vector.shape_cast %broadcast_in_dim3A_44 : vector<16xf32> to vector<16xf32>
    tpu.vector_store %arg6[%swap3A_45], %swap3A_48 {strides = array<i32>} : memref<128xf32, #tpu.memory_space<vmem>>, vector<16xf32>,
    %mul3A_49 = arith.constant 40 : i32
    %mul3A_50 = arith.muli %add3A, %mul3A_49 : i32
    "tpu.region"() ({
      %run_scoped3A = tpu.sem_alloc : memref<!tpu.dma_semaphore, #tpu.memory_space<semaphore_mem>>
      %dma_start3A = arith.constant 0 : i32
      %dma_start3A_62 = tpu.memref_slice %arg2[%mul3A_50, %dma_start3A] : memref<1280x128xi32, #tpu.memory_space<hbm>> -> memref<40x128xi32, #tpu.memory_space<hbm>>
      %dma_start3A_63 = arith.constant 0 : i32
      %dma_start3A_64 = tpu.memref_slice %arg2[%mul3A_50, %dma_start3A_63] : memref<1280x128xi32, #tpu.memory_space<hbm>> -> memref<40x128xi32, #tpu.memory_space<hbm>>
      tpu.enqueue_dma source(%dma_start3A_64 : memref<40x128xi32, #tpu.memory_space<hbm>>) target(%arg5 : memref<40x128xi32, #tpu.memory_space<vmem>>) target_semaphore(%run_scoped3A : memref<!tpu.dma_semaphore, #tpu.memory_space<semaphore_mem>>)
      %dma_wait3A = arith.constant 0 : i32
      %dma_wait3A_65 = tpu.memref_slice %arg2[%mul3A_50, %dma_wait3A] : memref<1280x128xi32, #tpu.memory_space<hbm>> -> memref<40x128xi32, #tpu.memory_space<hbm>>
      %dma_wait3A_66 = arith.constant 0 : i32
      %dma_wait3A_67 = tpu.memref_slice %arg2[%mul3A_50, %dma_wait3A_66] : memref<1280x128xi32, #tpu.memory_space<hbm>> -> memref<40x128xi32, #tpu.memory_space<hbm>>
      tpu.wait_dma2 semaphore(%run_scoped3A : memref<!tpu.dma_semaphore, #tpu.memory_space<semaphore_mem>>) src(%dma_wait3A_67 : memref<40x128xi32, #tpu.memory_space<hbm>>) dst(%arg5 : memref<40x128xi32, #tpu.memory_space<vmem>>)
      tpu.yield
    }) : () -> ()
    %barrier3A = arith.constant 0 : index
    tpu.barrier barrier_id(%barrier3A)
    %scan3A = arith.constant 0 : i32
    %scan3A_51 = arith.constant 0 : i32
    %scan3A_52 = arith.constant 40 : i32
    %scan3A_53 = arith.addi %scan3A_51, %scan3A_52 : i32
    %scan3A_54 = arith.constant 1 : i32
    scf.for %scan3A_62 = %scan3A_51 to %scan3A_53 step %scan3A_54  : i32 {
      "tpu.region"() ({
        %run_scoped3A = tpu.sem_alloc : memref<!tpu.dma_semaphore, #tpu.memory_space<semaphore_mem>>
        %dma_start3A = arith.constant 0 : i32
        %dma_start3A_63 = tpu.memref_slice %arg5[%scan3A_62, %dma_start3A] : memref<40x128xi32, #tpu.memory_space<vmem>> -> memref<1x128xi32, #tpu.memory_space<vmem>>
        %dma_start3A_64 = tpu.memref_squeeze %dma_start3A_63 : memref<1x128xi32, #tpu.memory_space<vmem>> -> memref<128xi32, #tpu.memory_space<vmem>>
        %dma_start3A_65 = arith.constant 0 : i32
        %dma_start3A_66 = tpu.memref_slice %arg8[%dma_start3A_65] : memref<10112xf32, #tpu.memory_space<vmem_shared>> -> memref<10112xf32, #tpu.memory_space<vmem_shared>>
        tpu.enqueue_indirect_dma source(%arg6 : memref<128xf32, #tpu.memory_space<vmem>>) target(%dma_start3A_66 : memref<10112xf32, #tpu.memory_space<vmem_shared>>) offsets(%dma_start3A_64 : memref<128xi32, #tpu.memory_space<vmem>>) semaphore(%run_scoped3A : memref<!tpu.dma_semaphore, #tpu.memory_space<semaphore_mem>>) {add = true}
        %dma_wait3A = arith.constant 0 : i32
        %dma_wait3A_67 = tpu.memref_slice %arg5[%scan3A_62, %dma_wait3A] : memref<40x128xi32, #tpu.memory_space<vmem>> -> memref<1x128xi32, #tpu.memory_space<vmem>>
        %dma_wait3A_68 = tpu.memref_squeeze %dma_wait3A_67 : memref<1x128xi32, #tpu.memory_space<vmem>> -> memref<128xi32, #tpu.memory_space<vmem>>
        %dma_wait3A_69 = arith.constant 0 : i32
        %dma_wait3A_70 = tpu.memref_slice %arg8[%dma_wait3A_69] : memref<10112xf32, #tpu.memory_space<vmem_shared>> -> memref<10112xf32, #tpu.memory_space<vmem_shared>>
        tpu.wait_indirect_dma semaphore(%run_scoped3A : memref<!tpu.dma_semaphore, #tpu.memory_space<semaphore_mem>>) src(%arg6 : memref<128xf32, #tpu.memory_space<vmem>>) dst(%dma_wait3A_70 : memref<10112xf32, #tpu.memory_space<vmem_shared>>)
        tpu.yield
      }) : () -> ()
    }
    %scan3A_55 = arith.constant 40 : i32
    %barrier3A_56 = arith.constant 0 : index
    tpu.barrier barrier_id(%barrier3A_56)
    %eq3A_57 = arith.constant 0 : i32
    %eq3A_58 = arith.cmpi eq, %arg1, %eq3A_57 : i32
    %convert_element_type3A_59 = arith.extui %eq3A_58 : i1 to i32
    %cond3A_60 = arith.constant 0 : i32
    %cond3A_61 = arith.cmpi ne, %convert_element_type3A_59, %cond3A_60 : i32
    scf.if %cond3A_61 {
      "tpu.region"() ({
        %run_scoped3A = tpu.sem_alloc : memref<!tpu.dma_semaphore, #tpu.memory_space<semaphore_mem>>
        tpu.enqueue_dma source(%arg8 : memref<10112xf32, #tpu.memory_space<vmem_shared>>) target(%arg7 : memref<10112xf32, #tpu.memory_space<vmem>>) target_semaphore(%run_scoped3A : memref<!tpu.dma_semaphore, #tpu.memory_space<semaphore_mem>>)
        tpu.wait_dma2 semaphore(%run_scoped3A : memref<!tpu.dma_semaphore, #tpu.memory_space<semaphore_mem>>) src(%arg8 : memref<10112xf32, #tpu.memory_space<vmem_shared>>) dst(%arg7 : memref<10112xf32, #tpu.memory_space<vmem>>)
        tpu.yield
      }) : () -> ()
      "tpu.region"() ({
        %run_scoped3A = tpu.sem_alloc : memref<!tpu.dma_semaphore, #tpu.memory_space<semaphore_mem>>
        %dma_start3A = arith.constant 0 : i32
        %dma_start3A_62 = tpu.memref_slice %arg4[%arg0, %dma_start3A] : memref<2x10112xf32, #tpu.memory_space<hbm>> -> memref<1x10112xf32, #tpu.memory_space<hbm>>
        %dma_start3A_63 = tpu.memref_squeeze %dma_start3A_62 : memref<1x10112xf32, #tpu.memory_space<hbm>> -> memref<10112xf32, #tpu.memory_space<hbm>>
        %dma_start3A_64 = arith.constant 0 : i32
        %dma_start3A_65 = tpu.memref_slice %arg4[%arg0, %dma_start3A_64] : memref<2x10112xf32, #tpu.memory_space<hbm>> -> memref<1x10112xf32, #tpu.memory_space<hbm>>
        %dma_start3A_66 = tpu.memref_squeeze %dma_start3A_65 : memref<1x10112xf32, #tpu.memory_space<hbm>> -> memref<10112xf32, #tpu.memory_space<hbm>>
        tpu.enqueue_dma source(%arg7 : memref<10112xf32, #tpu.memory_space<vmem>>) target(%dma_start3A_66 : memref<10112xf32, #tpu.memory_space<hbm>>) target_semaphore(%run_scoped3A : memref<!tpu.dma_semaphore, #tpu.memory_space<semaphore_mem>>)
        %dma_wait3A = arith.constant 0 : i32
        %dma_wait3A_67 = tpu.memref_slice %arg4[%arg0, %dma_wait3A] : memref<2x10112xf32, #tpu.memory_space<hbm>> -> memref<1x10112xf32, #tpu.memory_space<hbm>>
        %dma_wait3A_68 = tpu.memref_squeeze %dma_wait3A_67 : memref<1x10112xf32, #tpu.memory_space<hbm>> -> memref<10112xf32, #tpu.memory_space<hbm>>
        %dma_wait3A_69 = arith.constant 0 : i32
        %dma_wait3A_70 = tpu.memref_slice %arg4[%arg0, %dma_wait3A_69] : memref<2x10112xf32, #tpu.memory_space<hbm>> -> memref<1x10112xf32, #tpu.memory_space<hbm>>
        %dma_wait3A_71 = tpu.memref_squeeze %dma_wait3A_70 : memref<1x10112xf32, #tpu.memory_space<hbm>> -> memref<10112xf32, #tpu.memory_space<hbm>>
        tpu.wait_dma2 semaphore(%run_scoped3A : memref<!tpu.dma_semaphore, #tpu.memory_space<semaphore_mem>>) src(%arg7 : memref<10112xf32, #tpu.memory_space<vmem>>) dst(%dma_wait3A_71 : memref<10112xf32, #tpu.memory_space<hbm>>)
        tpu.yield
      }) : () -> ()
    } else {
    }
    return
  }
}

#map = affine_map<(d0, d1) -> (0, 0)>
#map1 = affine_map<(d0, d1) -> (0, 0, 0)>
module attributes {stable_mosaic.version = 14 : i64} {
  func.func @_agg_body(%arg0: i32, %arg1: i32, %arg2: memref<20000x128xf32, #tpu.memory_space<hbm>>, %arg3: memref<2560x128xi32, #tpu.memory_space<hbm>>, %arg4: memref<1280x128xi32, #tpu.memory_space<hbm>>, %arg5: memref<128x128xf32, #tpu.memory_space<hbm>>, %arg6: memref<2x10112x128xf32, #tpu.memory_space<hbm>>, %arg7: memref<40x128xi32, #tpu.memory_space<vmem>>, %arg8: memref<40x128xi32, #tpu.memory_space<vmem>>, %arg9: memref<128x128xf32, #tpu.memory_space<vmem>>, %arg10: memref<128x128xf32, #tpu.memory_space<vmem>>, %arg11: memref<10112x128xf32, #tpu.memory_space<vmem_shared>>, %arg12: memref<!tpu.dma_semaphore, #tpu.memory_space<semaphore_mem>>, %arg13: memref<!tpu.dma_semaphore, #tpu.memory_space<semaphore_mem>>, %arg14: memref<!tpu.dma_semaphore, #tpu.memory_space<semaphore_mem>>, %arg15: memref<!tpu.dma_semaphore, #tpu.memory_space<semaphore_mem>>) attributes {dimension_semantics = [#tpu.dimension_semantics<core_parallel>, #tpu.dimension_semantics<subcore_parallel>], iteration_bounds = array<i64: 2, 16>, scalar_prefetch = 0 : i64, scratch_operands = 9 : i64, tpu.core_type = #tpu.core_type<sc_vector_subcore>, window_params = [{transform_indices = #map}, {transform_indices = #map}, {transform_indices = #map}, {transform_indices = #map}, {transform_indices = #map1}]} {
    "tpu.region"() ({
      %run_scoped3A = tpu.sem_alloc : memref<!tpu.dma_semaphore, #tpu.memory_space<semaphore_mem>>
      tpu.enqueue_dma source(%arg5 : memref<128x128xf32, #tpu.memory_space<hbm>>) target(%arg9 : memref<128x128xf32, #tpu.memory_space<vmem>>) target_semaphore(%run_scoped3A : memref<!tpu.dma_semaphore, #tpu.memory_space<semaphore_mem>>)
      tpu.wait_dma2 semaphore(%run_scoped3A : memref<!tpu.dma_semaphore, #tpu.memory_space<semaphore_mem>>) src(%arg5 : memref<128x128xf32, #tpu.memory_space<hbm>>) dst(%arg9 : memref<128x128xf32, #tpu.memory_space<vmem>>)
      tpu.yield
    }) : () -> ()
    %mul3A = arith.constant 632 : i32
    %mul3A_0 = arith.muli %arg1, %mul3A : i32
    %add3A = arith.constant 0 : i32
    %add3A_1 = arith.addi %mul3A_0, %add3A : i32
    %dma_start3A = arith.constant 0 : i32
    %dma_start3A_2 = arith.constant 0 : i32
    %dma_start3A_3 = tpu.memref_slice %arg9[%dma_start3A, %dma_start3A_2] : memref<128x128xf32, #tpu.memory_space<vmem>> -> memref<128x128xf32, #tpu.memory_space<vmem>>
    %dma_start3A_4 = arith.constant 0 : i32
    %dma_start3A_5 = tpu.memref_slice %arg11[%add3A_1, %dma_start3A_4] : memref<10112x128xf32, #tpu.memory_space<vmem_shared>> -> memref<128x128xf32, #tpu.memory_space<vmem_shared>>
    %dma_start3A_6 = arith.constant 0 : i32
    %dma_start3A_7 = tpu.memref_slice %arg11[%add3A_1, %dma_start3A_6] : memref<10112x128xf32, #tpu.memory_space<vmem_shared>> -> memref<128x128xf32, #tpu.memory_space<vmem_shared>>
    %dma_start3A_8 = arith.constant 0 : i32
    %dma_start3A_9 = arith.constant 0 : i32
    %dma_start3A_10 = tpu.memref_slice %arg9[%dma_start3A_8, %dma_start3A_9] : memref<128x128xf32, #tpu.memory_space<vmem>> -> memref<128x128xf32, #tpu.memory_space<vmem>>
    tpu.enqueue_dma source(%dma_start3A_10 : memref<128x128xf32, #tpu.memory_space<vmem>>) target(%dma_start3A_7 : memref<128x128xf32, #tpu.memory_space<vmem_shared>>) target_semaphore(%arg14 : memref<!tpu.dma_semaphore, #tpu.memory_space<semaphore_mem>>)
    %mul3A_11 = arith.constant 632 : i32
    %mul3A_12 = arith.muli %arg1, %mul3A_11 : i32
    %add3A_13 = arith.constant 128 : i32
    %add3A_14 = arith.addi %mul3A_12, %add3A_13 : i32
    %dma_start3A_15 = arith.constant 0 : i32
    %dma_start3A_16 = arith.constant 0 : i32
    %dma_start3A_17 = tpu.memref_slice %arg9[%dma_start3A_15, %dma_start3A_16] : memref<128x128xf32, #tpu.memory_space<vmem>> -> memref<128x128xf32, #tpu.memory_space<vmem>>
    %dma_start3A_18 = arith.constant 0 : i32
    %dma_start3A_19 = tpu.memref_slice %arg11[%add3A_14, %dma_start3A_18] : memref<10112x128xf32, #tpu.memory_space<vmem_shared>> -> memref<128x128xf32, #tpu.memory_space<vmem_shared>>
    %dma_start3A_20 = arith.constant 0 : i32
    %dma_start3A_21 = tpu.memref_slice %arg11[%add3A_14, %dma_start3A_20] : memref<10112x128xf32, #tpu.memory_space<vmem_shared>> -> memref<128x128xf32, #tpu.memory_space<vmem_shared>>
    %dma_start3A_22 = arith.constant 0 : i32
    %dma_start3A_23 = arith.constant 0 : i32
    %dma_start3A_24 = tpu.memref_slice %arg9[%dma_start3A_22, %dma_start3A_23] : memref<128x128xf32, #tpu.memory_space<vmem>> -> memref<128x128xf32, #tpu.memory_space<vmem>>
    tpu.enqueue_dma source(%dma_start3A_24 : memref<128x128xf32, #tpu.memory_space<vmem>>) target(%dma_start3A_21 : memref<128x128xf32, #tpu.memory_space<vmem_shared>>) target_semaphore(%arg14 : memref<!tpu.dma_semaphore, #tpu.memory_space<semaphore_mem>>)
    %mul3A_25 = arith.constant 632 : i32
    %mul3A_26 = arith.muli %arg1, %mul3A_25 : i32
    %add3A_27 = arith.constant 256 : i32
    %add3A_28 = arith.addi %mul3A_26, %add3A_27 : i32
    %dma_start3A_29 = arith.constant 0 : i32
    %dma_start3A_30 = arith.constant 0 : i32
    %dma_start3A_31 = tpu.memref_slice %arg9[%dma_start3A_29, %dma_start3A_30] : memref<128x128xf32, #tpu.memory_space<vmem>> -> memref<128x128xf32, #tpu.memory_space<vmem>>
    %dma_start3A_32 = arith.constant 0 : i32
    %dma_start3A_33 = tpu.memref_slice %arg11[%add3A_28, %dma_start3A_32] : memref<10112x128xf32, #tpu.memory_space<vmem_shared>> -> memref<128x128xf32, #tpu.memory_space<vmem_shared>>
    %dma_start3A_34 = arith.constant 0 : i32
    %dma_start3A_35 = tpu.memref_slice %arg11[%add3A_28, %dma_start3A_34] : memref<10112x128xf32, #tpu.memory_space<vmem_shared>> -> memref<128x128xf32, #tpu.memory_space<vmem_shared>>
    %dma_start3A_36 = arith.constant 0 : i32
    %dma_start3A_37 = arith.constant 0 : i32
    %dma_start3A_38 = tpu.memref_slice %arg9[%dma_start3A_36, %dma_start3A_37] : memref<128x128xf32, #tpu.memory_space<vmem>> -> memref<128x128xf32, #tpu.memory_space<vmem>>
    tpu.enqueue_dma source(%dma_start3A_38 : memref<128x128xf32, #tpu.memory_space<vmem>>) target(%dma_start3A_35 : memref<128x128xf32, #tpu.memory_space<vmem_shared>>) target_semaphore(%arg14 : memref<!tpu.dma_semaphore, #tpu.memory_space<semaphore_mem>>)
    %mul3A_39 = arith.constant 632 : i32
    %mul3A_40 = arith.muli %arg1, %mul3A_39 : i32
    %add3A_41 = arith.constant 384 : i32
    %add3A_42 = arith.addi %mul3A_40, %add3A_41 : i32
    %dma_start3A_43 = arith.constant 0 : i32
    %dma_start3A_44 = arith.constant 0 : i32
    %dma_start3A_45 = tpu.memref_slice %arg9[%dma_start3A_43, %dma_start3A_44] : memref<128x128xf32, #tpu.memory_space<vmem>> -> memref<128x128xf32, #tpu.memory_space<vmem>>
    %dma_start3A_46 = arith.constant 0 : i32
    %dma_start3A_47 = tpu.memref_slice %arg11[%add3A_42, %dma_start3A_46] : memref<10112x128xf32, #tpu.memory_space<vmem_shared>> -> memref<128x128xf32, #tpu.memory_space<vmem_shared>>
    %dma_start3A_48 = arith.constant 0 : i32
    %dma_start3A_49 = tpu.memref_slice %arg11[%add3A_42, %dma_start3A_48] : memref<10112x128xf32, #tpu.memory_space<vmem_shared>> -> memref<128x128xf32, #tpu.memory_space<vmem_shared>>
    %dma_start3A_50 = arith.constant 0 : i32
    %dma_start3A_51 = arith.constant 0 : i32
    %dma_start3A_52 = tpu.memref_slice %arg9[%dma_start3A_50, %dma_start3A_51] : memref<128x128xf32, #tpu.memory_space<vmem>> -> memref<128x128xf32, #tpu.memory_space<vmem>>
    tpu.enqueue_dma source(%dma_start3A_52 : memref<128x128xf32, #tpu.memory_space<vmem>>) target(%dma_start3A_49 : memref<128x128xf32, #tpu.memory_space<vmem_shared>>) target_semaphore(%arg14 : memref<!tpu.dma_semaphore, #tpu.memory_space<semaphore_mem>>)
    %mul3A_53 = arith.constant 632 : i32
    %mul3A_54 = arith.muli %arg1, %mul3A_53 : i32
    %add3A_55 = arith.constant 512 : i32
    %add3A_56 = arith.addi %mul3A_54, %add3A_55 : i32
    %dma_start3A_57 = arith.constant 0 : i32
    %dma_start3A_58 = arith.constant 0 : i32
    %dma_start3A_59 = tpu.memref_slice %arg9[%dma_start3A_57, %dma_start3A_58] : memref<128x128xf32, #tpu.memory_space<vmem>> -> memref<120x128xf32, #tpu.memory_space<vmem>>
    %dma_start3A_60 = arith.constant 0 : i32
    %dma_start3A_61 = tpu.memref_slice %arg11[%add3A_56, %dma_start3A_60] : memref<10112x128xf32, #tpu.memory_space<vmem_shared>> -> memref<120x128xf32, #tpu.memory_space<vmem_shared>>
    %dma_start3A_62 = arith.constant 0 : i32
    %dma_start3A_63 = tpu.memref_slice %arg11[%add3A_56, %dma_start3A_62] : memref<10112x128xf32, #tpu.memory_space<vmem_shared>> -> memref<120x128xf32, #tpu.memory_space<vmem_shared>>
    %dma_start3A_64 = arith.constant 0 : i32
    %dma_start3A_65 = arith.constant 0 : i32
    %dma_start3A_66 = tpu.memref_slice %arg9[%dma_start3A_64, %dma_start3A_65] : memref<128x128xf32, #tpu.memory_space<vmem>> -> memref<120x128xf32, #tpu.memory_space<vmem>>
    tpu.enqueue_dma source(%dma_start3A_66 : memref<120x128xf32, #tpu.memory_space<vmem>>) target(%dma_start3A_63 : memref<120x128xf32, #tpu.memory_space<vmem_shared>>) target_semaphore(%arg14 : memref<!tpu.dma_semaphore, #tpu.memory_space<semaphore_mem>>)
    %mul3A_67 = arith.constant 632 : i32
    %mul3A_68 = arith.muli %arg1, %mul3A_67 : i32
    %add3A_69 = arith.constant 0 : i32
    %add3A_70 = arith.addi %mul3A_68, %add3A_69 : i32
    %dma_wait3A = arith.constant 0 : i32
    %dma_wait3A_71 = arith.constant 0 : i32
    %dma_wait3A_72 = tpu.memref_slice %arg9[%dma_wait3A, %dma_wait3A_71] : memref<128x128xf32, #tpu.memory_space<vmem>> -> memref<128x128xf32, #tpu.memory_space<vmem>>
    %dma_wait3A_73 = arith.constant 0 : i32
    %dma_wait3A_74 = tpu.memref_slice %arg11[%add3A_70, %dma_wait3A_73] : memref<10112x128xf32, #tpu.memory_space<vmem_shared>> -> memref<128x128xf32, #tpu.memory_space<vmem_shared>>
    %dma_wait3A_75 = arith.constant 0 : i32
    %dma_wait3A_76 = tpu.memref_slice %arg11[%add3A_70, %dma_wait3A_75] : memref<10112x128xf32, #tpu.memory_space<vmem_shared>> -> memref<128x128xf32, #tpu.memory_space<vmem_shared>>
    %dma_wait3A_77 = arith.constant 0 : i32
    %dma_wait3A_78 = arith.constant 0 : i32
    %dma_wait3A_79 = tpu.memref_slice %arg9[%dma_wait3A_77, %dma_wait3A_78] : memref<128x128xf32, #tpu.memory_space<vmem>> -> memref<128x128xf32, #tpu.memory_space<vmem>>
    tpu.wait_dma2 semaphore(%arg14 : memref<!tpu.dma_semaphore, #tpu.memory_space<semaphore_mem>>) src(%dma_wait3A_79 : memref<128x128xf32, #tpu.memory_space<vmem>>) dst(%dma_wait3A_76 : memref<128x128xf32, #tpu.memory_space<vmem_shared>>)
    %mul3A_80 = arith.constant 632 : i32
    %mul3A_81 = arith.muli %arg1, %mul3A_80 : i32
    %add3A_82 = arith.constant 128 : i32
    %add3A_83 = arith.addi %mul3A_81, %add3A_82 : i32
    %dma_wait3A_84 = arith.constant 0 : i32
    %dma_wait3A_85 = arith.constant 0 : i32
    %dma_wait3A_86 = tpu.memref_slice %arg9[%dma_wait3A_84, %dma_wait3A_85] : memref<128x128xf32, #tpu.memory_space<vmem>> -> memref<128x128xf32, #tpu.memory_space<vmem>>
    %dma_wait3A_87 = arith.constant 0 : i32
    %dma_wait3A_88 = tpu.memref_slice %arg11[%add3A_83, %dma_wait3A_87] : memref<10112x128xf32, #tpu.memory_space<vmem_shared>> -> memref<128x128xf32, #tpu.memory_space<vmem_shared>>
    %dma_wait3A_89 = arith.constant 0 : i32
    %dma_wait3A_90 = tpu.memref_slice %arg11[%add3A_83, %dma_wait3A_89] : memref<10112x128xf32, #tpu.memory_space<vmem_shared>> -> memref<128x128xf32, #tpu.memory_space<vmem_shared>>
    %dma_wait3A_91 = arith.constant 0 : i32
    %dma_wait3A_92 = arith.constant 0 : i32
    %dma_wait3A_93 = tpu.memref_slice %arg9[%dma_wait3A_91, %dma_wait3A_92] : memref<128x128xf32, #tpu.memory_space<vmem>> -> memref<128x128xf32, #tpu.memory_space<vmem>>
    tpu.wait_dma2 semaphore(%arg14 : memref<!tpu.dma_semaphore, #tpu.memory_space<semaphore_mem>>) src(%dma_wait3A_93 : memref<128x128xf32, #tpu.memory_space<vmem>>) dst(%dma_wait3A_90 : memref<128x128xf32, #tpu.memory_space<vmem_shared>>)
    %mul3A_94 = arith.constant 632 : i32
    %mul3A_95 = arith.muli %arg1, %mul3A_94 : i32
    %add3A_96 = arith.constant 256 : i32
    %add3A_97 = arith.addi %mul3A_95, %add3A_96 : i32
    %dma_wait3A_98 = arith.constant 0 : i32
    %dma_wait3A_99 = arith.constant 0 : i32
    %dma_wait3A_100 = tpu.memref_slice %arg9[%dma_wait3A_98, %dma_wait3A_99] : memref<128x128xf32, #tpu.memory_space<vmem>> -> memref<128x128xf32, #tpu.memory_space<vmem>>
    %dma_wait3A_101 = arith.constant 0 : i32
    %dma_wait3A_102 = tpu.memref_slice %arg11[%add3A_97, %dma_wait3A_101] : memref<10112x128xf32, #tpu.memory_space<vmem_shared>> -> memref<128x128xf32, #tpu.memory_space<vmem_shared>>
    %dma_wait3A_103 = arith.constant 0 : i32
    %dma_wait3A_104 = tpu.memref_slice %arg11[%add3A_97, %dma_wait3A_103] : memref<10112x128xf32, #tpu.memory_space<vmem_shared>> -> memref<128x128xf32, #tpu.memory_space<vmem_shared>>
    %dma_wait3A_105 = arith.constant 0 : i32
    %dma_wait3A_106 = arith.constant 0 : i32
    %dma_wait3A_107 = tpu.memref_slice %arg9[%dma_wait3A_105, %dma_wait3A_106] : memref<128x128xf32, #tpu.memory_space<vmem>> -> memref<128x128xf32, #tpu.memory_space<vmem>>
    tpu.wait_dma2 semaphore(%arg14 : memref<!tpu.dma_semaphore, #tpu.memory_space<semaphore_mem>>) src(%dma_wait3A_107 : memref<128x128xf32, #tpu.memory_space<vmem>>) dst(%dma_wait3A_104 : memref<128x128xf32, #tpu.memory_space<vmem_shared>>)
    %mul3A_108 = arith.constant 632 : i32
    %mul3A_109 = arith.muli %arg1, %mul3A_108 : i32
    %add3A_110 = arith.constant 384 : i32
    %add3A_111 = arith.addi %mul3A_109, %add3A_110 : i32
    %dma_wait3A_112 = arith.constant 0 : i32
    %dma_wait3A_113 = arith.constant 0 : i32
    %dma_wait3A_114 = tpu.memref_slice %arg9[%dma_wait3A_112, %dma_wait3A_113] : memref<128x128xf32, #tpu.memory_space<vmem>> -> memref<128x128xf32, #tpu.memory_space<vmem>>
    %dma_wait3A_115 = arith.constant 0 : i32
    %dma_wait3A_116 = tpu.memref_slice %arg11[%add3A_111, %dma_wait3A_115] : memref<10112x128xf32, #tpu.memory_space<vmem_shared>> -> memref<128x128xf32, #tpu.memory_space<vmem_shared>>
    %dma_wait3A_117 = arith.constant 0 : i32
    %dma_wait3A_118 = tpu.memref_slice %arg11[%add3A_111, %dma_wait3A_117] : memref<10112x128xf32, #tpu.memory_space<vmem_shared>> -> memref<128x128xf32, #tpu.memory_space<vmem_shared>>
    %dma_wait3A_119 = arith.constant 0 : i32
    %dma_wait3A_120 = arith.constant 0 : i32
    %dma_wait3A_121 = tpu.memref_slice %arg9[%dma_wait3A_119, %dma_wait3A_120] : memref<128x128xf32, #tpu.memory_space<vmem>> -> memref<128x128xf32, #tpu.memory_space<vmem>>
    tpu.wait_dma2 semaphore(%arg14 : memref<!tpu.dma_semaphore, #tpu.memory_space<semaphore_mem>>) src(%dma_wait3A_121 : memref<128x128xf32, #tpu.memory_space<vmem>>) dst(%dma_wait3A_118 : memref<128x128xf32, #tpu.memory_space<vmem_shared>>)
    %mul3A_122 = arith.constant 632 : i32
    %mul3A_123 = arith.muli %arg1, %mul3A_122 : i32
    %add3A_124 = arith.constant 512 : i32
    %add3A_125 = arith.addi %mul3A_123, %add3A_124 : i32
    %dma_wait3A_126 = arith.constant 0 : i32
    %dma_wait3A_127 = arith.constant 0 : i32
    %dma_wait3A_128 = tpu.memref_slice %arg9[%dma_wait3A_126, %dma_wait3A_127] : memref<128x128xf32, #tpu.memory_space<vmem>> -> memref<120x128xf32, #tpu.memory_space<vmem>>
    %dma_wait3A_129 = arith.constant 0 : i32
    %dma_wait3A_130 = tpu.memref_slice %arg11[%add3A_125, %dma_wait3A_129] : memref<10112x128xf32, #tpu.memory_space<vmem_shared>> -> memref<120x128xf32, #tpu.memory_space<vmem_shared>>
    %dma_wait3A_131 = arith.constant 0 : i32
    %dma_wait3A_132 = tpu.memref_slice %arg11[%add3A_125, %dma_wait3A_131] : memref<10112x128xf32, #tpu.memory_space<vmem_shared>> -> memref<120x128xf32, #tpu.memory_space<vmem_shared>>
    %dma_wait3A_133 = arith.constant 0 : i32
    %dma_wait3A_134 = arith.constant 0 : i32
    %dma_wait3A_135 = tpu.memref_slice %arg9[%dma_wait3A_133, %dma_wait3A_134] : memref<128x128xf32, #tpu.memory_space<vmem>> -> memref<120x128xf32, #tpu.memory_space<vmem>>
    tpu.wait_dma2 semaphore(%arg14 : memref<!tpu.dma_semaphore, #tpu.memory_space<semaphore_mem>>) src(%dma_wait3A_135 : memref<120x128xf32, #tpu.memory_space<vmem>>) dst(%dma_wait3A_132 : memref<120x128xf32, #tpu.memory_space<vmem_shared>>)
    %barrier3A = arith.constant 0 : index
    tpu.barrier barrier_id(%barrier3A)
    %mul3A_136 = arith.constant 1280 : i32
    %mul3A_137 = arith.muli %arg0, %mul3A_136 : i32
    %mul3A_138 = arith.constant 80 : i32
    %mul3A_139 = arith.muli %arg1, %mul3A_138 : i32
    %add3A_140 = arith.addi %mul3A_137, %mul3A_139 : i32
    %add3A_141 = arith.constant 0 : i32
    %add3A_142 = arith.addi %add3A_140, %add3A_141 : i32
    "tpu.region"() ({
      %run_scoped3A = tpu.sem_alloc : memref<!tpu.dma_semaphore, #tpu.memory_space<semaphore_mem>>
      %dma_start3A_204 = arith.constant 0 : i32
      %dma_start3A_205 = tpu.memref_slice %arg3[%add3A_142, %dma_start3A_204] : memref<2560x128xi32, #tpu.memory_space<hbm>> -> memref<40x128xi32, #tpu.memory_space<hbm>>
      %dma_start3A_206 = arith.constant 0 : i32
      %dma_start3A_207 = tpu.memref_slice %arg3[%add3A_142, %dma_start3A_206] : memref<2560x128xi32, #tpu.memory_space<hbm>> -> memref<40x128xi32, #tpu.memory_space<hbm>>
      tpu.enqueue_dma source(%dma_start3A_207 : memref<40x128xi32, #tpu.memory_space<hbm>>) target(%arg7 : memref<40x128xi32, #tpu.memory_space<vmem>>) target_semaphore(%run_scoped3A : memref<!tpu.dma_semaphore, #tpu.memory_space<semaphore_mem>>)
      %dma_wait3A_208 = arith.constant 0 : i32
      %dma_wait3A_209 = tpu.memref_slice %arg3[%add3A_142, %dma_wait3A_208] : memref<2560x128xi32, #tpu.memory_space<hbm>> -> memref<40x128xi32, #tpu.memory_space<hbm>>
      %dma_wait3A_210 = arith.constant 0 : i32
      %dma_wait3A_211 = tpu.memref_slice %arg3[%add3A_142, %dma_wait3A_210] : memref<2560x128xi32, #tpu.memory_space<hbm>> -> memref<40x128xi32, #tpu.memory_space<hbm>>
      tpu.wait_dma2 semaphore(%run_scoped3A : memref<!tpu.dma_semaphore, #tpu.memory_space<semaphore_mem>>) src(%dma_wait3A_211 : memref<40x128xi32, #tpu.memory_space<hbm>>) dst(%arg7 : memref<40x128xi32, #tpu.memory_space<vmem>>)
      tpu.yield
    }) : () -> ()
    %mul3A_143 = arith.constant 80 : i32
    %mul3A_144 = arith.muli %arg1, %mul3A_143 : i32
    %add3A_145 = arith.constant 0 : i32
    %add3A_146 = arith.addi %mul3A_144, %add3A_145 : i32
    "tpu.region"() ({
      %run_scoped3A = tpu.sem_alloc : memref<!tpu.dma_semaphore, #tpu.memory_space<semaphore_mem>>
      %dma_start3A_204 = arith.constant 0 : i32
      %dma_start3A_205 = tpu.memref_slice %arg4[%add3A_146, %dma_start3A_204] : memref<1280x128xi32, #tpu.memory_space<hbm>> -> memref<40x128xi32, #tpu.memory_space<hbm>>
      %dma_start3A_206 = arith.constant 0 : i32
      %dma_start3A_207 = tpu.memref_slice %arg4[%add3A_146, %dma_start3A_206] : memref<1280x128xi32, #tpu.memory_space<hbm>> -> memref<40x128xi32, #tpu.memory_space<hbm>>
      tpu.enqueue_dma source(%dma_start3A_207 : memref<40x128xi32, #tpu.memory_space<hbm>>) target(%arg8 : memref<40x128xi32, #tpu.memory_space<vmem>>) target_semaphore(%run_scoped3A : memref<!tpu.dma_semaphore, #tpu.memory_space<semaphore_mem>>)
      %dma_wait3A_208 = arith.constant 0 : i32
      %dma_wait3A_209 = tpu.memref_slice %arg4[%add3A_146, %dma_wait3A_208] : memref<1280x128xi32, #tpu.memory_space<hbm>> -> memref<40x128xi32, #tpu.memory_space<hbm>>
      %dma_wait3A_210 = arith.constant 0 : i32
      %dma_wait3A_211 = tpu.memref_slice %arg4[%add3A_146, %dma_wait3A_210] : memref<1280x128xi32, #tpu.memory_space<hbm>> -> memref<40x128xi32, #tpu.memory_space<hbm>>
      tpu.wait_dma2 semaphore(%run_scoped3A : memref<!tpu.dma_semaphore, #tpu.memory_space<semaphore_mem>>) src(%dma_wait3A_211 : memref<40x128xi32, #tpu.memory_space<hbm>>) dst(%arg8 : memref<40x128xi32, #tpu.memory_space<vmem>>)
      tpu.yield
    }) : () -> ()
    %dma_start3A_147 = arith.constant 0 : i32
    %dma_start3A_148 = arith.constant 0 : i32
    %dma_start3A_149 = tpu.memref_slice %arg7[%dma_start3A_147, %dma_start3A_148] : memref<40x128xi32, #tpu.memory_space<vmem>> -> memref<1x128xi32, #tpu.memory_space<vmem>>
    %dma_start3A_150 = tpu.memref_squeeze %dma_start3A_149 : memref<1x128xi32, #tpu.memory_space<vmem>> -> memref<128xi32, #tpu.memory_space<vmem>>
    %dma_start3A_151 = arith.constant 0 : i32
    %dma_start3A_152 = arith.constant 0 : i32
    %dma_start3A_153 = tpu.memref_slice %arg2[%dma_start3A_151, %dma_start3A_152] : memref<20000x128xf32, #tpu.memory_space<hbm>> -> memref<20000x128xf32, #tpu.memory_space<hbm>>
    tpu.enqueue_indirect_dma source(%dma_start3A_153 : memref<20000x128xf32, #tpu.memory_space<hbm>>) target(%arg9 : memref<128x128xf32, #tpu.memory_space<vmem>>) offsets(%dma_start3A_150 : memref<128xi32, #tpu.memory_space<vmem>>) semaphore(%arg12 : memref<!tpu.dma_semaphore, #tpu.memory_space<semaphore_mem>>)
    %scan3A = arith.constant 0 : i32
    %scan3A_154 = arith.constant 0 : i32
    %scan3A_155 = arith.constant 20 : i32
    %scan3A_156 = arith.addi %scan3A_154, %scan3A_155 : i32
    %scan3A_157 = arith.constant 1 : i32
    scf.for %scan3A_204 = %scan3A_154 to %scan3A_156 step %scan3A_157  : i32 {
      %mul3A_205 = arith.constant 2 : i32
      %mul3A_206 = arith.muli %mul3A_205, %scan3A_204 : i32
      %mul3A_207 = arith.constant 2 : i32
      %mul3A_208 = arith.muli %mul3A_207, %scan3A_204 : i32
      %add3A_209 = arith.constant 1 : i32
      %add3A_210 = arith.addi %mul3A_208, %add3A_209 : i32
      %dma_start3A_211 = arith.constant 0 : i32
      %dma_start3A_212 = tpu.memref_slice %arg7[%add3A_210, %dma_start3A_211] : memref<40x128xi32, #tpu.memory_space<vmem>> -> memref<1x128xi32, #tpu.memory_space<vmem>>
      %dma_start3A_213 = tpu.memref_squeeze %dma_start3A_212 : memref<1x128xi32, #tpu.memory_space<vmem>> -> memref<128xi32, #tpu.memory_space<vmem>>
      %dma_start3A_214 = arith.constant 0 : i32
      %dma_start3A_215 = arith.constant 0 : i32
      %dma_start3A_216 = tpu.memref_slice %arg2[%dma_start3A_214, %dma_start3A_215] : memref<20000x128xf32, #tpu.memory_space<hbm>> -> memref<20000x128xf32, #tpu.memory_space<hbm>>
      tpu.enqueue_indirect_dma source(%dma_start3A_216 : memref<20000x128xf32, #tpu.memory_space<hbm>>) target(%arg10 : memref<128x128xf32, #tpu.memory_space<vmem>>) offsets(%dma_start3A_213 : memref<128xi32, #tpu.memory_space<vmem>>) semaphore(%arg13 : memref<!tpu.dma_semaphore, #tpu.memory_space<semaphore_mem>>)
      %dma_wait3A_217 = arith.constant 0 : i32
      %dma_wait3A_218 = tpu.memref_slice %arg7[%mul3A_206, %dma_wait3A_217] : memref<40x128xi32, #tpu.memory_space<vmem>> -> memref<1x128xi32, #tpu.memory_space<vmem>>
      %dma_wait3A_219 = tpu.memref_squeeze %dma_wait3A_218 : memref<1x128xi32, #tpu.memory_space<vmem>> -> memref<128xi32, #tpu.memory_space<vmem>>
      %dma_wait3A_220 = arith.constant 0 : i32
      %dma_wait3A_221 = arith.constant 0 : i32
      %dma_wait3A_222 = tpu.memref_slice %arg2[%dma_wait3A_220, %dma_wait3A_221] : memref<20000x128xf32, #tpu.memory_space<hbm>> -> memref<20000x128xf32, #tpu.memory_space<hbm>>
      tpu.wait_indirect_dma semaphore(%arg12 : memref<!tpu.dma_semaphore, #tpu.memory_space<semaphore_mem>>) src(%dma_wait3A_222 : memref<20000x128xf32, #tpu.memory_space<hbm>>) dst(%arg9 : memref<128x128xf32, #tpu.memory_space<vmem>>)
      "tpu.region"() ({
        %run_scoped3A = tpu.sem_alloc : memref<!tpu.dma_semaphore, #tpu.memory_space<semaphore_mem>>
        %dma_start3A_231 = arith.constant 0 : i32
        %dma_start3A_232 = tpu.memref_slice %arg8[%mul3A_206, %dma_start3A_231] : memref<40x128xi32, #tpu.memory_space<vmem>> -> memref<1x128xi32, #tpu.memory_space<vmem>>
        %dma_start3A_233 = tpu.memref_squeeze %dma_start3A_232 : memref<1x128xi32, #tpu.memory_space<vmem>> -> memref<128xi32, #tpu.memory_space<vmem>>
        %dma_start3A_234 = arith.constant 0 : i32
        %dma_start3A_235 = arith.constant 0 : i32
        %dma_start3A_236 = tpu.memref_slice %arg11[%dma_start3A_234, %dma_start3A_235] : memref<10112x128xf32, #tpu.memory_space<vmem_shared>> -> memref<10112x128xf32, #tpu.memory_space<vmem_shared>>
        tpu.enqueue_indirect_dma source(%arg9 : memref<128x128xf32, #tpu.memory_space<vmem>>) target(%dma_start3A_236 : memref<10112x128xf32, #tpu.memory_space<vmem_shared>>) offsets(%dma_start3A_233 : memref<128xi32, #tpu.memory_space<vmem>>) semaphore(%run_scoped3A : memref<!tpu.dma_semaphore, #tpu.memory_space<semaphore_mem>>) {add = true}
        %dma_wait3A_237 = arith.constant 0 : i32
        %dma_wait3A_238 = tpu.memref_slice %arg8[%mul3A_206, %dma_wait3A_237] : memref<40x128xi32, #tpu.memory_space<vmem>> -> memref<1x128xi32, #tpu.memory_space<vmem>>
        %dma_wait3A_239 = tpu.memref_squeeze %dma_wait3A_238 : memref<1x128xi32, #tpu.memory_space<vmem>> -> memref<128xi32, #tpu.memory_space<vmem>>
        %dma_wait3A_240 = arith.constant 0 : i32
        %dma_wait3A_241 = arith.constant 0 : i32
        %dma_wait3A_242 = tpu.memref_slice %arg11[%dma_wait3A_240, %dma_wait3A_241] : memref<10112x128xf32, #tpu.memory_space<vmem_shared>> -> memref<10112x128xf32, #tpu.memory_space<vmem_shared>>
        tpu.wait_indirect_dma semaphore(%run_scoped3A : memref<!tpu.dma_semaphore, #tpu.memory_space<semaphore_mem>>) src(%arg9 : memref<128x128xf32, #tpu.memory_space<vmem>>) dst(%dma_wait3A_242 : memref<10112x128xf32, #tpu.memory_space<vmem_shared>>)
        tpu.yield
      }) : () -> ()
      %lt3A = arith.constant 19 : i32
      %lt3A_223 = arith.cmpi slt, %scan3A_204, %lt3A : i32
      %convert_element_type3A = arith.extui %lt3A_223 : i1 to i32
      %cond3A = arith.constant 0 : i32
      %cond3A_224 = arith.cmpi ne, %convert_element_type3A, %cond3A : i32
      scf.if %cond3A_224 {
        %add3A_231 = arith.constant 2 : i32
        %add3A_232 = arith.addi %mul3A_206, %add3A_231 : i32
        %dma_start3A_233 = arith.constant 0 : i32
        %dma_start3A_234 = tpu.memref_slice %arg7[%add3A_232, %dma_start3A_233] : memref<40x128xi32, #tpu.memory_space<vmem>> -> memref<1x128xi32, #tpu.memory_space<vmem>>
        %dma_start3A_235 = tpu.memref_squeeze %dma_start3A_234 : memref<1x128xi32, #tpu.memory_space<vmem>> -> memref<128xi32, #tpu.memory_space<vmem>>
        %dma_start3A_236 = arith.constant 0 : i32
        %dma_start3A_237 = arith.constant 0 : i32
        %dma_start3A_238 = tpu.memref_slice %arg2[%dma_start3A_236, %dma_start3A_237] : memref<20000x128xf32, #tpu.memory_space<hbm>> -> memref<20000x128xf32, #tpu.memory_space<hbm>>
        tpu.enqueue_indirect_dma source(%dma_start3A_238 : memref<20000x128xf32, #tpu.memory_space<hbm>>) target(%arg9 : memref<128x128xf32, #tpu.memory_space<vmem>>) offsets(%dma_start3A_235 : memref<128xi32, #tpu.memory_space<vmem>>) semaphore(%arg12 : memref<!tpu.dma_semaphore, #tpu.memory_space<semaphore_mem>>)
      } else {
      }
      %dma_wait3A_225 = arith.constant 0 : i32
      %dma_wait3A_226 = tpu.memref_slice %arg7[%add3A_210, %dma_wait3A_225] : memref<40x128xi32, #tpu.memory_space<vmem>> -> memref<1x128xi32, #tpu.memory_space<vmem>>
      %dma_wait3A_227 = tpu.memref_squeeze %dma_wait3A_226 : memref<1x128xi32, #tpu.memory_space<vmem>> -> memref<128xi32, #tpu.memory_space<vmem>>
      %dma_wait3A_228 = arith.constant 0 : i32
      %dma_wait3A_229 = arith.constant 0 : i32
      %dma_wait3A_230 = tpu.memref_slice %arg2[%dma_wait3A_228, %dma_wait3A_229] : memref<20000x128xf32, #tpu.memory_space<hbm>> -> memref<20000x128xf32, #tpu.memory_space<hbm>>
      tpu.wait_indirect_dma semaphore(%arg13 : memref<!tpu.dma_semaphore, #tpu.memory_space<semaphore_mem>>) src(%dma_wait3A_230 : memref<20000x128xf32, #tpu.memory_space<hbm>>) dst(%arg10 : memref<128x128xf32, #tpu.memory_space<vmem>>)
      "tpu.region"() ({
        %run_scoped3A = tpu.sem_alloc : memref<!tpu.dma_semaphore, #tpu.memory_space<semaphore_mem>>
        %dma_start3A_231 = arith.constant 0 : i32
        %dma_start3A_232 = tpu.memref_slice %arg8[%add3A_210, %dma_start3A_231] : memref<40x128xi32, #tpu.memory_space<vmem>> -> memref<1x128xi32, #tpu.memory_space<vmem>>
        %dma_start3A_233 = tpu.memref_squeeze %dma_start3A_232 : memref<1x128xi32, #tpu.memory_space<vmem>> -> memref<128xi32, #tpu.memory_space<vmem>>
        %dma_start3A_234 = arith.constant 0 : i32
        %dma_start3A_235 = arith.constant 0 : i32
        %dma_start3A_236 = tpu.memref_slice %arg11[%dma_start3A_234, %dma_start3A_235] : memref<10112x128xf32, #tpu.memory_space<vmem_shared>> -> memref<10112x128xf32, #tpu.memory_space<vmem_shared>>
        tpu.enqueue_indirect_dma source(%arg10 : memref<128x128xf32, #tpu.memory_space<vmem>>) target(%dma_start3A_236 : memref<10112x128xf32, #tpu.memory_space<vmem_shared>>) offsets(%dma_start3A_233 : memref<128xi32, #tpu.memory_space<vmem>>) semaphore(%run_scoped3A : memref<!tpu.dma_semaphore, #tpu.memory_space<semaphore_mem>>) {add = true}
        %dma_wait3A_237 = arith.constant 0 : i32
        %dma_wait3A_238 = tpu.memref_slice %arg8[%add3A_210, %dma_wait3A_237] : memref<40x128xi32, #tpu.memory_space<vmem>> -> memref<1x128xi32, #tpu.memory_space<vmem>>
        %dma_wait3A_239 = tpu.memref_squeeze %dma_wait3A_238 : memref<1x128xi32, #tpu.memory_space<vmem>> -> memref<128xi32, #tpu.memory_space<vmem>>
        %dma_wait3A_240 = arith.constant 0 : i32
        %dma_wait3A_241 = arith.constant 0 : i32
        %dma_wait3A_242 = tpu.memref_slice %arg11[%dma_wait3A_240, %dma_wait3A_241] : memref<10112x128xf32, #tpu.memory_space<vmem_shared>> -> memref<10112x128xf32, #tpu.memory_space<vmem_shared>>
        tpu.wait_indirect_dma semaphore(%run_scoped3A : memref<!tpu.dma_semaphore, #tpu.memory_space<semaphore_mem>>) src(%arg10 : memref<128x128xf32, #tpu.memory_space<vmem>>) dst(%dma_wait3A_242 : memref<10112x128xf32, #tpu.memory_space<vmem_shared>>)
        tpu.yield
      }) : () -> ()
    }
    %scan3A_158 = arith.constant 20 : i32
    %mul3A_159 = arith.constant 1280 : i32
    %mul3A_160 = arith.muli %arg0, %mul3A_159 : i32
    %mul3A_161 = arith.constant 80 : i32
    %mul3A_162 = arith.muli %arg1, %mul3A_161 : i32
    %add3A_163 = arith.addi %mul3A_160, %mul3A_162 : i32
    %add3A_164 = arith.constant 40 : i32
    %add3A_165 = arith.addi %add3A_163, %add3A_164 : i32
    "tpu.region"() ({
      %run_scoped3A = tpu.sem_alloc : memref<!tpu.dma_semaphore, #tpu.memory_space<semaphore_mem>>
      %dma_start3A_204 = arith.constant 0 : i32
      %dma_start3A_205 = tpu.memref_slice %arg3[%add3A_165, %dma_start3A_204] : memref<2560x128xi32, #tpu.memory_space<hbm>> -> memref<40x128xi32, #tpu.memory_space<hbm>>
      %dma_start3A_206 = arith.constant 0 : i32
      %dma_start3A_207 = tpu.memref_slice %arg3[%add3A_165, %dma_start3A_206] : memref<2560x128xi32, #tpu.memory_space<hbm>> -> memref<40x128xi32, #tpu.memory_space<hbm>>
      tpu.enqueue_dma source(%dma_start3A_207 : memref<40x128xi32, #tpu.memory_space<hbm>>) target(%arg7 : memref<40x128xi32, #tpu.memory_space<vmem>>) target_semaphore(%run_scoped3A : memref<!tpu.dma_semaphore, #tpu.memory_space<semaphore_mem>>)
      %dma_wait3A_208 = arith.constant 0 : i32
      %dma_wait3A_209 = tpu.memref_slice %arg3[%add3A_165, %dma_wait3A_208] : memref<2560x128xi32, #tpu.memory_space<hbm>> -> memref<40x128xi32, #tpu.memory_space<hbm>>
      %dma_wait3A_210 = arith.constant 0 : i32
      %dma_wait3A_211 = tpu.memref_slice %arg3[%add3A_165, %dma_wait3A_210] : memref<2560x128xi32, #tpu.memory_space<hbm>> -> memref<40x128xi32, #tpu.memory_space<hbm>>
      tpu.wait_dma2 semaphore(%run_scoped3A : memref<!tpu.dma_semaphore, #tpu.memory_space<semaphore_mem>>) src(%dma_wait3A_211 : memref<40x128xi32, #tpu.memory_space<hbm>>) dst(%arg7 : memref<40x128xi32, #tpu.memory_space<vmem>>)
      tpu.yield
    }) : () -> ()
    %mul3A_166 = arith.constant 80 : i32
    %mul3A_167 = arith.muli %arg1, %mul3A_166 : i32
    %add3A_168 = arith.constant 40 : i32
    %add3A_169 = arith.addi %mul3A_167, %add3A_168 : i32
    "tpu.region"() ({
      %run_scoped3A = tpu.sem_alloc : memref<!tpu.dma_semaphore, #tpu.memory_space<semaphore_mem>>
      %dma_start3A_204 = arith.constant 0 : i32
      %dma_start3A_205 = tpu.memref_slice %arg4[%add3A_169, %dma_start3A_204] : memref<1280x128xi32, #tpu.memory_space<hbm>> -> memref<40x128xi32, #tpu.memory_space<hbm>>
      %dma_start3A_206 = arith.constant 0 : i32
      %dma_start3A_207 = tpu.memref_slice %arg4[%add3A_169, %dma_start3A_206] : memref<1280x128xi32, #tpu.memory_space<hbm>> -> memref<40x128xi32, #tpu.memory_space<hbm>>
      tpu.enqueue_dma source(%dma_start3A_207 : memref<40x128xi32, #tpu.memory_space<hbm>>) target(%arg8 : memref<40x128xi32, #tpu.memory_space<vmem>>) target_semaphore(%run_scoped3A : memref<!tpu.dma_semaphore, #tpu.memory_space<semaphore_mem>>)
      %dma_wait3A_208 = arith.constant 0 : i32
      %dma_wait3A_209 = tpu.memref_slice %arg4[%add3A_169, %dma_wait3A_208] : memref<1280x128xi32, #tpu.memory_space<hbm>> -> memref<40x128xi32, #tpu.memory_space<hbm>>
      %dma_wait3A_210 = arith.constant 0 : i32
      %dma_wait3A_211 = tpu.memref_slice %arg4[%add3A_169, %dma_wait3A_210] : memref<1280x128xi32, #tpu.memory_space<hbm>> -> memref<40x128xi32, #tpu.memory_space<hbm>>
      tpu.wait_dma2 semaphore(%run_scoped3A : memref<!tpu.dma_semaphore, #tpu.memory_space<semaphore_mem>>) src(%dma_wait3A_211 : memref<40x128xi32, #tpu.memory_space<hbm>>) dst(%arg8 : memref<40x128xi32, #tpu.memory_space<vmem>>)
      tpu.yield
    }) : () -> ()
    %dma_start3A_170 = arith.constant 0 : i32
    %dma_start3A_171 = arith.constant 0 : i32
    %dma_start3A_172 = tpu.memref_slice %arg7[%dma_start3A_170, %dma_start3A_171] : memref<40x128xi32, #tpu.memory_space<vmem>> -> memref<1x128xi32, #tpu.memory_space<vmem>>
    %dma_start3A_173 = tpu.memref_squeeze %dma_start3A_172 : memref<1x128xi32, #tpu.memory_space<vmem>> -> memref<128xi32, #tpu.memory_space<vmem>>
    %dma_start3A_174 = arith.constant 0 : i32
    %dma_start3A_175 = arith.constant 0 : i32
    %dma_start3A_176 = tpu.memref_slice %arg2[%dma_start3A_174, %dma_start3A_175] : memref<20000x128xf32, #tpu.memory_space<hbm>> -> memref<20000x128xf32, #tpu.memory_space<hbm>>
    tpu.enqueue_indirect_dma source(%dma_start3A_176 : memref<20000x128xf32, #tpu.memory_space<hbm>>) target(%arg9 : memref<128x128xf32, #tpu.memory_space<vmem>>) offsets(%dma_start3A_173 : memref<128xi32, #tpu.memory_space<vmem>>) semaphore(%arg12 : memref<!tpu.dma_semaphore, #tpu.memory_space<semaphore_mem>>)
    %scan3A_177 = arith.constant 0 : i32
    %scan3A_178 = arith.constant 0 : i32
    %scan3A_179 = arith.constant 20 : i32
    %scan3A_180 = arith.addi %scan3A_178, %scan3A_179 : i32
    %scan3A_181 = arith.constant 1 : i32
    scf.for %scan3A_204 = %scan3A_178 to %scan3A_180 step %scan3A_181  : i32 {
      %mul3A_205 = arith.constant 2 : i32
      %mul3A_206 = arith.muli %mul3A_205, %scan3A_204 : i32
      %mul3A_207 = arith.constant 2 : i32
      %mul3A_208 = arith.muli %mul3A_207, %scan3A_204 : i32
      %add3A_209 = arith.constant 1 : i32
      %add3A_210 = arith.addi %mul3A_208, %add3A_209 : i32
      %dma_start3A_211 = arith.constant 0 : i32
      %dma_start3A_212 = tpu.memref_slice %arg7[%add3A_210, %dma_start3A_211] : memref<40x128xi32, #tpu.memory_space<vmem>> -> memref<1x128xi32, #tpu.memory_space<vmem>>
      %dma_start3A_213 = tpu.memref_squeeze %dma_start3A_212 : memref<1x128xi32, #tpu.memory_space<vmem>> -> memref<128xi32, #tpu.memory_space<vmem>>
      %dma_start3A_214 = arith.constant 0 : i32
      %dma_start3A_215 = arith.constant 0 : i32
      %dma_start3A_216 = tpu.memref_slice %arg2[%dma_start3A_214, %dma_start3A_215] : memref<20000x128xf32, #tpu.memory_space<hbm>> -> memref<20000x128xf32, #tpu.memory_space<hbm>>
      tpu.enqueue_indirect_dma source(%dma_start3A_216 : memref<20000x128xf32, #tpu.memory_space<hbm>>) target(%arg10 : memref<128x128xf32, #tpu.memory_space<vmem>>) offsets(%dma_start3A_213 : memref<128xi32, #tpu.memory_space<vmem>>) semaphore(%arg13 : memref<!tpu.dma_semaphore, #tpu.memory_space<semaphore_mem>>)
      %dma_wait3A_217 = arith.constant 0 : i32
      %dma_wait3A_218 = tpu.memref_slice %arg7[%mul3A_206, %dma_wait3A_217] : memref<40x128xi32, #tpu.memory_space<vmem>> -> memref<1x128xi32, #tpu.memory_space<vmem>>
      %dma_wait3A_219 = tpu.memref_squeeze %dma_wait3A_218 : memref<1x128xi32, #tpu.memory_space<vmem>> -> memref<128xi32, #tpu.memory_space<vmem>>
      %dma_wait3A_220 = arith.constant 0 : i32
      %dma_wait3A_221 = arith.constant 0 : i32
      %dma_wait3A_222 = tpu.memref_slice %arg2[%dma_wait3A_220, %dma_wait3A_221] : memref<20000x128xf32, #tpu.memory_space<hbm>> -> memref<20000x128xf32, #tpu.memory_space<hbm>>
      tpu.wait_indirect_dma semaphore(%arg12 : memref<!tpu.dma_semaphore, #tpu.memory_space<semaphore_mem>>) src(%dma_wait3A_222 : memref<20000x128xf32, #tpu.memory_space<hbm>>) dst(%arg9 : memref<128x128xf32, #tpu.memory_space<vmem>>)
      "tpu.region"() ({
        %run_scoped3A = tpu.sem_alloc : memref<!tpu.dma_semaphore, #tpu.memory_space<semaphore_mem>>
        %dma_start3A_231 = arith.constant 0 : i32
        %dma_start3A_232 = tpu.memref_slice %arg8[%mul3A_206, %dma_start3A_231] : memref<40x128xi32, #tpu.memory_space<vmem>> -> memref<1x128xi32, #tpu.memory_space<vmem>>
        %dma_start3A_233 = tpu.memref_squeeze %dma_start3A_232 : memref<1x128xi32, #tpu.memory_space<vmem>> -> memref<128xi32, #tpu.memory_space<vmem>>
        %dma_start3A_234 = arith.constant 0 : i32
        %dma_start3A_235 = arith.constant 0 : i32
        %dma_start3A_236 = tpu.memref_slice %arg11[%dma_start3A_234, %dma_start3A_235] : memref<10112x128xf32, #tpu.memory_space<vmem_shared>> -> memref<10112x128xf32, #tpu.memory_space<vmem_shared>>
        tpu.enqueue_indirect_dma source(%arg9 : memref<128x128xf32, #tpu.memory_space<vmem>>) target(%dma_start3A_236 : memref<10112x128xf32, #tpu.memory_space<vmem_shared>>) offsets(%dma_start3A_233 : memref<128xi32, #tpu.memory_space<vmem>>) semaphore(%run_scoped3A : memref<!tpu.dma_semaphore, #tpu.memory_space<semaphore_mem>>) {add = true}
        %dma_wait3A_237 = arith.constant 0 : i32
        %dma_wait3A_238 = tpu.memref_slice %arg8[%mul3A_206, %dma_wait3A_237] : memref<40x128xi32, #tpu.memory_space<vmem>> -> memref<1x128xi32, #tpu.memory_space<vmem>>
        %dma_wait3A_239 = tpu.memref_squeeze %dma_wait3A_238 : memref<1x128xi32, #tpu.memory_space<vmem>> -> memref<128xi32, #tpu.memory_space<vmem>>
        %dma_wait3A_240 = arith.constant 0 : i32
        %dma_wait3A_241 = arith.constant 0 : i32
        %dma_wait3A_242 = tpu.memref_slice %arg11[%dma_wait3A_240, %dma_wait3A_241] : memref<10112x128xf32, #tpu.memory_space<vmem_shared>> -> memref<10112x128xf32, #tpu.memory_space<vmem_shared>>
        tpu.wait_indirect_dma semaphore(%run_scoped3A : memref<!tpu.dma_semaphore, #tpu.memory_space<semaphore_mem>>) src(%arg9 : memref<128x128xf32, #tpu.memory_space<vmem>>) dst(%dma_wait3A_242 : memref<10112x128xf32, #tpu.memory_space<vmem_shared>>)
        tpu.yield
      }) : () -> ()
      %lt3A = arith.constant 19 : i32
      %lt3A_223 = arith.cmpi slt, %scan3A_204, %lt3A : i32
      %convert_element_type3A = arith.extui %lt3A_223 : i1 to i32
      %cond3A = arith.constant 0 : i32
      %cond3A_224 = arith.cmpi ne, %convert_element_type3A, %cond3A : i32
      scf.if %cond3A_224 {
        %add3A_231 = arith.constant 2 : i32
        %add3A_232 = arith.addi %mul3A_206, %add3A_231 : i32
        %dma_start3A_233 = arith.constant 0 : i32
        %dma_start3A_234 = tpu.memref_slice %arg7[%add3A_232, %dma_start3A_233] : memref<40x128xi32, #tpu.memory_space<vmem>> -> memref<1x128xi32, #tpu.memory_space<vmem>>
        %dma_start3A_235 = tpu.memref_squeeze %dma_start3A_234 : memref<1x128xi32, #tpu.memory_space<vmem>> -> memref<128xi32, #tpu.memory_space<vmem>>
        %dma_start3A_236 = arith.constant 0 : i32
        %dma_start3A_237 = arith.constant 0 : i32
        %dma_start3A_238 = tpu.memref_slice %arg2[%dma_start3A_236, %dma_start3A_237] : memref<20000x128xf32, #tpu.memory_space<hbm>> -> memref<20000x128xf32, #tpu.memory_space<hbm>>
        tpu.enqueue_indirect_dma source(%dma_start3A_238 : memref<20000x128xf32, #tpu.memory_space<hbm>>) target(%arg9 : memref<128x128xf32, #tpu.memory_space<vmem>>) offsets(%dma_start3A_235 : memref<128xi32, #tpu.memory_space<vmem>>) semaphore(%arg12 : memref<!tpu.dma_semaphore, #tpu.memory_space<semaphore_mem>>)
      } else {
      }
      %dma_wait3A_225 = arith.constant 0 : i32
      %dma_wait3A_226 = tpu.memref_slice %arg7[%add3A_210, %dma_wait3A_225] : memref<40x128xi32, #tpu.memory_space<vmem>> -> memref<1x128xi32, #tpu.memory_space<vmem>>
      %dma_wait3A_227 = tpu.memref_squeeze %dma_wait3A_226 : memref<1x128xi32, #tpu.memory_space<vmem>> -> memref<128xi32, #tpu.memory_space<vmem>>
      %dma_wait3A_228 = arith.constant 0 : i32
      %dma_wait3A_229 = arith.constant 0 : i32
      %dma_wait3A_230 = tpu.memref_slice %arg2[%dma_wait3A_228, %dma_wait3A_229] : memref<20000x128xf32, #tpu.memory_space<hbm>> -> memref<20000x128xf32, #tpu.memory_space<hbm>>
      tpu.wait_indirect_dma semaphore(%arg13 : memref<!tpu.dma_semaphore, #tpu.memory_space<semaphore_mem>>) src(%dma_wait3A_230 : memref<20000x128xf32, #tpu.memory_space<hbm>>) dst(%arg10 : memref<128x128xf32, #tpu.memory_space<vmem>>)
      "tpu.region"() ({
        %run_scoped3A = tpu.sem_alloc : memref<!tpu.dma_semaphore, #tpu.memory_space<semaphore_mem>>
        %dma_start3A_231 = arith.constant 0 : i32
        %dma_start3A_232 = tpu.memref_slice %arg8[%add3A_210, %dma_start3A_231] : memref<40x128xi32, #tpu.memory_space<vmem>> -> memref<1x128xi32, #tpu.memory_space<vmem>>
        %dma_start3A_233 = tpu.memref_squeeze %dma_start3A_232 : memref<1x128xi32, #tpu.memory_space<vmem>> -> memref<128xi32, #tpu.memory_space<vmem>>
        %dma_start3A_234 = arith.constant 0 : i32
        %dma_start3A_235 = arith.constant 0 : i32
        %dma_start3A_236 = tpu.memref_slice %arg11[%dma_start3A_234, %dma_start3A_235] : memref<10112x128xf32, #tpu.memory_space<vmem_shared>> -> memref<10112x128xf32, #tpu.memory_space<vmem_shared>>
        tpu.enqueue_indirect_dma source(%arg10 : memref<128x128xf32, #tpu.memory_space<vmem>>) target(%dma_start3A_236 : memref<10112x128xf32, #tpu.memory_space<vmem_shared>>) offsets(%dma_start3A_233 : memref<128xi32, #tpu.memory_space<vmem>>) semaphore(%run_scoped3A : memref<!tpu.dma_semaphore, #tpu.memory_space<semaphore_mem>>) {add = true}
        %dma_wait3A_237 = arith.constant 0 : i32
        %dma_wait3A_238 = tpu.memref_slice %arg8[%add3A_210, %dma_wait3A_237] : memref<40x128xi32, #tpu.memory_space<vmem>> -> memref<1x128xi32, #tpu.memory_space<vmem>>
        %dma_wait3A_239 = tpu.memref_squeeze %dma_wait3A_238 : memref<1x128xi32, #tpu.memory_space<vmem>> -> memref<128xi32, #tpu.memory_space<vmem>>
        %dma_wait3A_240 = arith.constant 0 : i32
        %dma_wait3A_241 = arith.constant 0 : i32
        %dma_wait3A_242 = tpu.memref_slice %arg11[%dma_wait3A_240, %dma_wait3A_241] : memref<10112x128xf32, #tpu.memory_space<vmem_shared>> -> memref<10112x128xf32, #tpu.memory_space<vmem_shared>>
        tpu.wait_indirect_dma semaphore(%run_scoped3A : memref<!tpu.dma_semaphore, #tpu.memory_space<semaphore_mem>>) src(%arg10 : memref<128x128xf32, #tpu.memory_space<vmem>>) dst(%dma_wait3A_242 : memref<10112x128xf32, #tpu.memory_space<vmem_shared>>)
        tpu.yield
      }) : () -> ()
    }
    %scan3A_182 = arith.constant 20 : i32
    %barrier3A_183 = arith.constant 0 : index
    tpu.barrier barrier_id(%barrier3A_183)
    %mul3A_184 = arith.constant 632 : i32
    %mul3A_185 = arith.muli %arg1, %mul3A_184 : i32
    %add3A_186 = arith.constant 0 : i32
    %add3A_187 = arith.addi %mul3A_185, %add3A_186 : i32
    "tpu.region"() ({
      %run_scoped3A = tpu.sem_alloc : memref<!tpu.dma_semaphore, #tpu.memory_space<semaphore_mem>>
      %dma_start3A_204 = arith.constant 0 : i32
      %dma_start3A_205 = arith.constant 0 : i32
      %dma_start3A_206 = tpu.memref_slice %arg9[%dma_start3A_204, %dma_start3A_205] : memref<128x128xf32, #tpu.memory_space<vmem>> -> memref<128x128xf32, #tpu.memory_space<vmem>>
      %dma_start3A_207 = arith.constant 0 : i32
      %dma_start3A_208 = tpu.memref_slice %arg11[%add3A_187, %dma_start3A_207] : memref<10112x128xf32, #tpu.memory_space<vmem_shared>> -> memref<128x128xf32, #tpu.memory_space<vmem_shared>>
      %dma_start3A_209 = arith.constant 0 : i32
      %dma_start3A_210 = arith.constant 0 : i32
      %dma_start3A_211 = tpu.memref_slice %arg9[%dma_start3A_209, %dma_start3A_210] : memref<128x128xf32, #tpu.memory_space<vmem>> -> memref<128x128xf32, #tpu.memory_space<vmem>>
      %dma_start3A_212 = arith.constant 0 : i32
      %dma_start3A_213 = tpu.memref_slice %arg11[%add3A_187, %dma_start3A_212] : memref<10112x128xf32, #tpu.memory_space<vmem_shared>> -> memref<128x128xf32, #tpu.memory_space<vmem_shared>>
      tpu.enqueue_dma source(%dma_start3A_213 : memref<128x128xf32, #tpu.memory_space<vmem_shared>>) target(%dma_start3A_211 : memref<128x128xf32, #tpu.memory_space<vmem>>) target_semaphore(%run_scoped3A : memref<!tpu.dma_semaphore, #tpu.memory_space<semaphore_mem>>)
      %dma_wait3A_214 = arith.constant 0 : i32
      %dma_wait3A_215 = arith.constant 0 : i32
      %dma_wait3A_216 = tpu.memref_slice %arg9[%dma_wait3A_214, %dma_wait3A_215] : memref<128x128xf32, #tpu.memory_space<vmem>> -> memref<128x128xf32, #tpu.memory_space<vmem>>
      %dma_wait3A_217 = arith.constant 0 : i32
      %dma_wait3A_218 = tpu.memref_slice %arg11[%add3A_187, %dma_wait3A_217] : memref<10112x128xf32, #tpu.memory_space<vmem_shared>> -> memref<128x128xf32, #tpu.memory_space<vmem_shared>>
      %dma_wait3A_219 = arith.constant 0 : i32
      %dma_wait3A_220 = arith.constant 0 : i32
      %dma_wait3A_221 = tpu.memref_slice %arg9[%dma_wait3A_219, %dma_wait3A_220] : memref<128x128xf32, #tpu.memory_space<vmem>> -> memref<128x128xf32, #tpu.memory_space<vmem>>
      %dma_wait3A_222 = arith.constant 0 : i32
      %dma_wait3A_223 = tpu.memref_slice %arg11[%add3A_187, %dma_wait3A_222] : memref<10112x128xf32, #tpu.memory_space<vmem_shared>> -> memref<128x128xf32, #tpu.memory_space<vmem_shared>>
      tpu.wait_dma2 semaphore(%run_scoped3A : memref<!tpu.dma_semaphore, #tpu.memory_space<semaphore_mem>>) src(%dma_wait3A_223 : memref<128x128xf32, #tpu.memory_space<vmem_shared>>) dst(%dma_wait3A_221 : memref<128x128xf32, #tpu.memory_space<vmem>>)
      tpu.yield
    }) : () -> ()
    "tpu.region"() ({
      %run_scoped3A = tpu.sem_alloc : memref<!tpu.dma_semaphore, #tpu.memory_space<semaphore_mem>>
      %dma_start3A_204 = arith.constant 0 : i32
      %dma_start3A_205 = arith.constant 0 : i32
      %dma_start3A_206 = tpu.memref_slice %arg9[%dma_start3A_204, %dma_start3A_205] : memref<128x128xf32, #tpu.memory_space<vmem>> -> memref<128x128xf32, #tpu.memory_space<vmem>>
      %dma_start3A_207 = arith.constant 0 : i32
      %dma_start3A_208 = tpu.memref_slice %arg6[%arg0, %add3A_187, %dma_start3A_207] : memref<2x10112x128xf32, #tpu.memory_space<hbm>> -> memref<1x128x128xf32, #tpu.memory_space<hbm>>
      %dma_start3A_209 = tpu.memref_squeeze %dma_start3A_208 : memref<1x128x128xf32, #tpu.memory_space<hbm>> -> memref<128x128xf32, #tpu.memory_space<hbm>>
      %dma_start3A_210 = arith.constant 0 : i32
      %dma_start3A_211 = tpu.memref_slice %arg6[%arg0, %add3A_187, %dma_start3A_210] : memref<2x10112x128xf32, #tpu.memory_space<hbm>> -> memref<1x128x128xf32, #tpu.memory_space<hbm>>
      %dma_start3A_212 = tpu.memref_squeeze %dma_start3A_211 : memref<1x128x128xf32, #tpu.memory_space<hbm>> -> memref<128x128xf32, #tpu.memory_space<hbm>>
      %dma_start3A_213 = arith.constant 0 : i32
      %dma_start3A_214 = arith.constant 0 : i32
      %dma_start3A_215 = tpu.memref_slice %arg9[%dma_start3A_213, %dma_start3A_214] : memref<128x128xf32, #tpu.memory_space<vmem>> -> memref<128x128xf32, #tpu.memory_space<vmem>>
      tpu.enqueue_dma source(%dma_start3A_215 : memref<128x128xf32, #tpu.memory_space<vmem>>) target(%dma_start3A_212 : memref<128x128xf32, #tpu.memory_space<hbm>>) target_semaphore(%run_scoped3A : memref<!tpu.dma_semaphore, #tpu.memory_space<semaphore_mem>>)
      %dma_wait3A_216 = arith.constant 0 : i32
      %dma_wait3A_217 = arith.constant 0 : i32
      %dma_wait3A_218 = tpu.memref_slice %arg9[%dma_wait3A_216, %dma_wait3A_217] : memref<128x128xf32, #tpu.memory_space<vmem>> -> memref<128x128xf32, #tpu.memory_space<vmem>>
      %dma_wait3A_219 = arith.constant 0 : i32
      %dma_wait3A_220 = tpu.memref_slice %arg6[%arg0, %add3A_187, %dma_wait3A_219] : memref<2x10112x128xf32, #tpu.memory_space<hbm>> -> memref<1x128x128xf32, #tpu.memory_space<hbm>>
      %dma_wait3A_221 = tpu.memref_squeeze %dma_wait3A_220 : memref<1x128x128xf32, #tpu.memory_space<hbm>> -> memref<128x128xf32, #tpu.memory_space<hbm>>
      %dma_wait3A_222 = arith.constant 0 : i32
      %dma_wait3A_223 = tpu.memref_slice %arg6[%arg0, %add3A_187, %dma_wait3A_222] : memref<2x10112x128xf32, #tpu.memory_space<hbm>> -> memref<1x128x128xf32, #tpu.memory_space<hbm>>
      %dma_wait3A_224 = tpu.memref_squeeze %dma_wait3A_223 : memref<1x128x128xf32, #tpu.memory_space<hbm>> -> memref<128x128xf32, #tpu.memory_space<hbm>>
      %dma_wait3A_225 = arith.constant 0 : i32
      %dma_wait3A_226 = arith.constant 0 : i32
      %dma_wait3A_227 = tpu.memref_slice %arg9[%dma_wait3A_225, %dma_wait3A_226] : memref<128x128xf32, #tpu.memory_space<vmem>> -> memref<128x128xf32, #tpu.memory_space<vmem>>
      tpu.wait_dma2 semaphore(%run_scoped3A : memref<!tpu.dma_semaphore, #tpu.memory_space<semaphore_mem>>) src(%dma_wait3A_227 : memref<128x128xf32, #tpu.memory_space<vmem>>) dst(%dma_wait3A_224 : memref<128x128xf32, #tpu.memory_space<hbm>>)
      tpu.yield
    }) : () -> ()
    %mul3A_188 = arith.constant 632 : i32
    %mul3A_189 = arith.muli %arg1, %mul3A_188 : i32
    %add3A_190 = arith.constant 128 : i32
    %add3A_191 = arith.addi %mul3A_189, %add3A_190 : i32
    "tpu.region"() ({
      %run_scoped3A = tpu.sem_alloc : memref<!tpu.dma_semaphore, #tpu.memory_space<semaphore_mem>>
      %dma_start3A_204 = arith.constant 0 : i32
      %dma_start3A_205 = arith.constant 0 : i32
      %dma_start3A_206 = tpu.memref_slice %arg9[%dma_start3A_204, %dma_start3A_205] : memref<128x128xf32, #tpu.memory_space<vmem>> -> memref<128x128xf32, #tpu.memory_space<vmem>>
      %dma_start3A_207 = arith.constant 0 : i32
      %dma_start3A_208 = tpu.memref_slice %arg11[%add3A_191, %dma_start3A_207] : memref<10112x128xf32, #tpu.memory_space<vmem_shared>> -> memref<128x128xf32, #tpu.memory_space<vmem_shared>>
      %dma_start3A_209 = arith.constant 0 : i32
      %dma_start3A_210 = arith.constant 0 : i32
      %dma_start3A_211 = tpu.memref_slice %arg9[%dma_start3A_209, %dma_start3A_210] : memref<128x128xf32, #tpu.memory_space<vmem>> -> memref<128x128xf32, #tpu.memory_space<vmem>>
      %dma_start3A_212 = arith.constant 0 : i32
      %dma_start3A_213 = tpu.memref_slice %arg11[%add3A_191, %dma_start3A_212] : memref<10112x128xf32, #tpu.memory_space<vmem_shared>> -> memref<128x128xf32, #tpu.memory_space<vmem_shared>>
      tpu.enqueue_dma source(%dma_start3A_213 : memref<128x128xf32, #tpu.memory_space<vmem_shared>>) target(%dma_start3A_211 : memref<128x128xf32, #tpu.memory_space<vmem>>) target_semaphore(%run_scoped3A : memref<!tpu.dma_semaphore, #tpu.memory_space<semaphore_mem>>)
      %dma_wait3A_214 = arith.constant 0 : i32
      %dma_wait3A_215 = arith.constant 0 : i32
      %dma_wait3A_216 = tpu.memref_slice %arg9[%dma_wait3A_214, %dma_wait3A_215] : memref<128x128xf32, #tpu.memory_space<vmem>> -> memref<128x128xf32, #tpu.memory_space<vmem>>
      %dma_wait3A_217 = arith.constant 0 : i32
      %dma_wait3A_218 = tpu.memref_slice %arg11[%add3A_191, %dma_wait3A_217] : memref<10112x128xf32, #tpu.memory_space<vmem_shared>> -> memref<128x128xf32, #tpu.memory_space<vmem_shared>>
      %dma_wait3A_219 = arith.constant 0 : i32
      %dma_wait3A_220 = arith.constant 0 : i32
      %dma_wait3A_221 = tpu.memref_slice %arg9[%dma_wait3A_219, %dma_wait3A_220] : memref<128x128xf32, #tpu.memory_space<vmem>> -> memref<128x128xf32, #tpu.memory_space<vmem>>
      %dma_wait3A_222 = arith.constant 0 : i32
      %dma_wait3A_223 = tpu.memref_slice %arg11[%add3A_191, %dma_wait3A_222] : memref<10112x128xf32, #tpu.memory_space<vmem_shared>> -> memref<128x128xf32, #tpu.memory_space<vmem_shared>>
      tpu.wait_dma2 semaphore(%run_scoped3A : memref<!tpu.dma_semaphore, #tpu.memory_space<semaphore_mem>>) src(%dma_wait3A_223 : memref<128x128xf32, #tpu.memory_space<vmem_shared>>) dst(%dma_wait3A_221 : memref<128x128xf32, #tpu.memory_space<vmem>>)
      tpu.yield
    }) : () -> ()
    "tpu.region"() ({
      %run_scoped3A = tpu.sem_alloc : memref<!tpu.dma_semaphore, #tpu.memory_space<semaphore_mem>>
      %dma_start3A_204 = arith.constant 0 : i32
      %dma_start3A_205 = arith.constant 0 : i32
      %dma_start3A_206 = tpu.memref_slice %arg9[%dma_start3A_204, %dma_start3A_205] : memref<128x128xf32, #tpu.memory_space<vmem>> -> memref<128x128xf32, #tpu.memory_space<vmem>>
      %dma_start3A_207 = arith.constant 0 : i32
      %dma_start3A_208 = tpu.memref_slice %arg6[%arg0, %add3A_191, %dma_start3A_207] : memref<2x10112x128xf32, #tpu.memory_space<hbm>> -> memref<1x128x128xf32, #tpu.memory_space<hbm>>
      %dma_start3A_209 = tpu.memref_squeeze %dma_start3A_208 : memref<1x128x128xf32, #tpu.memory_space<hbm>> -> memref<128x128xf32, #tpu.memory_space<hbm>>
      %dma_start3A_210 = arith.constant 0 : i32
      %dma_start3A_211 = tpu.memref_slice %arg6[%arg0, %add3A_191, %dma_start3A_210] : memref<2x10112x128xf32, #tpu.memory_space<hbm>> -> memref<1x128x128xf32, #tpu.memory_space<hbm>>
      %dma_start3A_212 = tpu.memref_squeeze %dma_start3A_211 : memref<1x128x128xf32, #tpu.memory_space<hbm>> -> memref<128x128xf32, #tpu.memory_space<hbm>>
      %dma_start3A_213 = arith.constant 0 : i32
      %dma_start3A_214 = arith.constant 0 : i32
      %dma_start3A_215 = tpu.memref_slice %arg9[%dma_start3A_213, %dma_start3A_214] : memref<128x128xf32, #tpu.memory_space<vmem>> -> memref<128x128xf32, #tpu.memory_space<vmem>>
      tpu.enqueue_dma source(%dma_start3A_215 : memref<128x128xf32, #tpu.memory_space<vmem>>) target(%dma_start3A_212 : memref<128x128xf32, #tpu.memory_space<hbm>>) target_semaphore(%run_scoped3A : memref<!tpu.dma_semaphore, #tpu.memory_space<semaphore_mem>>)
      %dma_wait3A_216 = arith.constant 0 : i32
      %dma_wait3A_217 = arith.constant 0 : i32
      %dma_wait3A_218 = tpu.memref_slice %arg9[%dma_wait3A_216, %dma_wait3A_217] : memref<128x128xf32, #tpu.memory_space<vmem>> -> memref<128x128xf32, #tpu.memory_space<vmem>>
      %dma_wait3A_219 = arith.constant 0 : i32
      %dma_wait3A_220 = tpu.memref_slice %arg6[%arg0, %add3A_191, %dma_wait3A_219] : memref<2x10112x128xf32, #tpu.memory_space<hbm>> -> memref<1x128x128xf32, #tpu.memory_space<hbm>>
      %dma_wait3A_221 = tpu.memref_squeeze %dma_wait3A_220 : memref<1x128x128xf32, #tpu.memory_space<hbm>> -> memref<128x128xf32, #tpu.memory_space<hbm>>
      %dma_wait3A_222 = arith.constant 0 : i32
      %dma_wait3A_223 = tpu.memref_slice %arg6[%arg0, %add3A_191, %dma_wait3A_222] : memref<2x10112x128xf32, #tpu.memory_space<hbm>> -> memref<1x128x128xf32, #tpu.memory_space<hbm>>
      %dma_wait3A_224 = tpu.memref_squeeze %dma_wait3A_223 : memref<1x128x128xf32, #tpu.memory_space<hbm>> -> memref<128x128xf32, #tpu.memory_space<hbm>>
      %dma_wait3A_225 = arith.constant 0 : i32
      %dma_wait3A_226 = arith.constant 0 : i32
      %dma_wait3A_227 = tpu.memref_slice %arg9[%dma_wait3A_225, %dma_wait3A_226] : memref<128x128xf32, #tpu.memory_space<vmem>> -> memref<128x128xf32, #tpu.memory_space<vmem>>
      tpu.wait_dma2 semaphore(%run_scoped3A : memref<!tpu.dma_semaphore, #tpu.memory_space<semaphore_mem>>) src(%dma_wait3A_227 : memref<128x128xf32, #tpu.memory_space<vmem>>) dst(%dma_wait3A_224 : memref<128x128xf32, #tpu.memory_space<hbm>>)
      tpu.yield
    }) : () -> ()
    %mul3A_192 = arith.constant 632 : i32
    %mul3A_193 = arith.muli %arg1, %mul3A_192 : i32
    %add3A_194 = arith.constant 256 : i32
    %add3A_195 = arith.addi %mul3A_193, %add3A_194 : i32
    "tpu.region"() ({
      %run_scoped3A = tpu.sem_alloc : memref<!tpu.dma_semaphore, #tpu.memory_space<semaphore_mem>>
      %dma_start3A_204 = arith.constant 0 : i32
      %dma_start3A_205 = arith.constant 0 : i32
      %dma_start3A_206 = tpu.memref_slice %arg9[%dma_start3A_204, %dma_start3A_205] : memref<128x128xf32, #tpu.memory_space<vmem>> -> memref<128x128xf32, #tpu.memory_space<vmem>>
      %dma_start3A_207 = arith.constant 0 : i32
      %dma_start3A_208 = tpu.memref_slice %arg11[%add3A_195, %dma_start3A_207] : memref<10112x128xf32, #tpu.memory_space<vmem_shared>> -> memref<128x128xf32, #tpu.memory_space<vmem_shared>>
      %dma_start3A_209 = arith.constant 0 : i32
      %dma_start3A_210 = arith.constant 0 : i32
      %dma_start3A_211 = tpu.memref_slice %arg9[%dma_start3A_209, %dma_start3A_210] : memref<128x128xf32, #tpu.memory_space<vmem>> -> memref<128x128xf32, #tpu.memory_space<vmem>>
      %dma_start3A_212 = arith.constant 0 : i32
      %dma_start3A_213 = tpu.memref_slice %arg11[%add3A_195, %dma_start3A_212] : memref<10112x128xf32, #tpu.memory_space<vmem_shared>> -> memref<128x128xf32, #tpu.memory_space<vmem_shared>>
      tpu.enqueue_dma source(%dma_start3A_213 : memref<128x128xf32, #tpu.memory_space<vmem_shared>>) target(%dma_start3A_211 : memref<128x128xf32, #tpu.memory_space<vmem>>) target_semaphore(%run_scoped3A : memref<!tpu.dma_semaphore, #tpu.memory_space<semaphore_mem>>)
      %dma_wait3A_214 = arith.constant 0 : i32
      %dma_wait3A_215 = arith.constant 0 : i32
      %dma_wait3A_216 = tpu.memref_slice %arg9[%dma_wait3A_214, %dma_wait3A_215] : memref<128x128xf32, #tpu.memory_space<vmem>> -> memref<128x128xf32, #tpu.memory_space<vmem>>
      %dma_wait3A_217 = arith.constant 0 : i32
      %dma_wait3A_218 = tpu.memref_slice %arg11[%add3A_195, %dma_wait3A_217] : memref<10112x128xf32, #tpu.memory_space<vmem_shared>> -> memref<128x128xf32, #tpu.memory_space<vmem_shared>>
      %dma_wait3A_219 = arith.constant 0 : i32
      %dma_wait3A_220 = arith.constant 0 : i32
      %dma_wait3A_221 = tpu.memref_slice %arg9[%dma_wait3A_219, %dma_wait3A_220] : memref<128x128xf32, #tpu.memory_space<vmem>> -> memref<128x128xf32, #tpu.memory_space<vmem>>
      %dma_wait3A_222 = arith.constant 0 : i32
      %dma_wait3A_223 = tpu.memref_slice %arg11[%add3A_195, %dma_wait3A_222] : memref<10112x128xf32, #tpu.memory_space<vmem_shared>> -> memref<128x128xf32, #tpu.memory_space<vmem_shared>>
      tpu.wait_dma2 semaphore(%run_scoped3A : memref<!tpu.dma_semaphore, #tpu.memory_space<semaphore_mem>>) src(%dma_wait3A_223 : memref<128x128xf32, #tpu.memory_space<vmem_shared>>) dst(%dma_wait3A_221 : memref<128x128xf32, #tpu.memory_space<vmem>>)
      tpu.yield
    }) : () -> ()
    "tpu.region"() ({
      %run_scoped3A = tpu.sem_alloc : memref<!tpu.dma_semaphore, #tpu.memory_space<semaphore_mem>>
      %dma_start3A_204 = arith.constant 0 : i32
      %dma_start3A_205 = arith.constant 0 : i32
      %dma_start3A_206 = tpu.memref_slice %arg9[%dma_start3A_204, %dma_start3A_205] : memref<128x128xf32, #tpu.memory_space<vmem>> -> memref<128x128xf32, #tpu.memory_space<vmem>>
      %dma_start3A_207 = arith.constant 0 : i32
      %dma_start3A_208 = tpu.memref_slice %arg6[%arg0, %add3A_195, %dma_start3A_207] : memref<2x10112x128xf32, #tpu.memory_space<hbm>> -> memref<1x128x128xf32, #tpu.memory_space<hbm>>
      %dma_start3A_209 = tpu.memref_squeeze %dma_start3A_208 : memref<1x128x128xf32, #tpu.memory_space<hbm>> -> memref<128x128xf32, #tpu.memory_space<hbm>>
      %dma_start3A_210 = arith.constant 0 : i32
      %dma_start3A_211 = tpu.memref_slice %arg6[%arg0, %add3A_195, %dma_start3A_210] : memref<2x10112x128xf32, #tpu.memory_space<hbm>> -> memref<1x128x128xf32, #tpu.memory_space<hbm>>
      %dma_start3A_212 = tpu.memref_squeeze %dma_start3A_211 : memref<1x128x128xf32, #tpu.memory_space<hbm>> -> memref<128x128xf32, #tpu.memory_space<hbm>>
      %dma_start3A_213 = arith.constant 0 : i32
      %dma_start3A_214 = arith.constant 0 : i32
      %dma_start3A_215 = tpu.memref_slice %arg9[%dma_start3A_213, %dma_start3A_214] : memref<128x128xf32, #tpu.memory_space<vmem>> -> memref<128x128xf32, #tpu.memory_space<vmem>>
      tpu.enqueue_dma source(%dma_start3A_215 : memref<128x128xf32, #tpu.memory_space<vmem>>) target(%dma_start3A_212 : memref<128x128xf32, #tpu.memory_space<hbm>>) target_semaphore(%run_scoped3A : memref<!tpu.dma_semaphore, #tpu.memory_space<semaphore_mem>>)
      %dma_wait3A_216 = arith.constant 0 : i32
      %dma_wait3A_217 = arith.constant 0 : i32
      %dma_wait3A_218 = tpu.memref_slice %arg9[%dma_wait3A_216, %dma_wait3A_217] : memref<128x128xf32, #tpu.memory_space<vmem>> -> memref<128x128xf32, #tpu.memory_space<vmem>>
      %dma_wait3A_219 = arith.constant 0 : i32
      %dma_wait3A_220 = tpu.memref_slice %arg6[%arg0, %add3A_195, %dma_wait3A_219] : memref<2x10112x128xf32, #tpu.memory_space<hbm>> -> memref<1x128x128xf32, #tpu.memory_space<hbm>>
      %dma_wait3A_221 = tpu.memref_squeeze %dma_wait3A_220 : memref<1x128x128xf32, #tpu.memory_space<hbm>> -> memref<128x128xf32, #tpu.memory_space<hbm>>
      %dma_wait3A_222 = arith.constant 0 : i32
      %dma_wait3A_223 = tpu.memref_slice %arg6[%arg0, %add3A_195, %dma_wait3A_222] : memref<2x10112x128xf32, #tpu.memory_space<hbm>> -> memref<1x128x128xf32, #tpu.memory_space<hbm>>
      %dma_wait3A_224 = tpu.memref_squeeze %dma_wait3A_223 : memref<1x128x128xf32, #tpu.memory_space<hbm>> -> memref<128x128xf32, #tpu.memory_space<hbm>>
      %dma_wait3A_225 = arith.constant 0 : i32
      %dma_wait3A_226 = arith.constant 0 : i32
      %dma_wait3A_227 = tpu.memref_slice %arg9[%dma_wait3A_225, %dma_wait3A_226] : memref<128x128xf32, #tpu.memory_space<vmem>> -> memref<128x128xf32, #tpu.memory_space<vmem>>
      tpu.wait_dma2 semaphore(%run_scoped3A : memref<!tpu.dma_semaphore, #tpu.memory_space<semaphore_mem>>) src(%dma_wait3A_227 : memref<128x128xf32, #tpu.memory_space<vmem>>) dst(%dma_wait3A_224 : memref<128x128xf32, #tpu.memory_space<hbm>>)
      tpu.yield
    }) : () -> ()
    %mul3A_196 = arith.constant 632 : i32
    %mul3A_197 = arith.muli %arg1, %mul3A_196 : i32
    %add3A_198 = arith.constant 384 : i32
    %add3A_199 = arith.addi %mul3A_197, %add3A_198 : i32
    "tpu.region"() ({
      %run_scoped3A = tpu.sem_alloc : memref<!tpu.dma_semaphore, #tpu.memory_space<semaphore_mem>>
      %dma_start3A_204 = arith.constant 0 : i32
      %dma_start3A_205 = arith.constant 0 : i32
      %dma_start3A_206 = tpu.memref_slice %arg9[%dma_start3A_204, %dma_start3A_205] : memref<128x128xf32, #tpu.memory_space<vmem>> -> memref<128x128xf32, #tpu.memory_space<vmem>>
      %dma_start3A_207 = arith.constant 0 : i32
      %dma_start3A_208 = tpu.memref_slice %arg11[%add3A_199, %dma_start3A_207] : memref<10112x128xf32, #tpu.memory_space<vmem_shared>> -> memref<128x128xf32, #tpu.memory_space<vmem_shared>>
      %dma_start3A_209 = arith.constant 0 : i32
      %dma_start3A_210 = arith.constant 0 : i32
      %dma_start3A_211 = tpu.memref_slice %arg9[%dma_start3A_209, %dma_start3A_210] : memref<128x128xf32, #tpu.memory_space<vmem>> -> memref<128x128xf32, #tpu.memory_space<vmem>>
      %dma_start3A_212 = arith.constant 0 : i32
      %dma_start3A_213 = tpu.memref_slice %arg11[%add3A_199, %dma_start3A_212] : memref<10112x128xf32, #tpu.memory_space<vmem_shared>> -> memref<128x128xf32, #tpu.memory_space<vmem_shared>>
      tpu.enqueue_dma source(%dma_start3A_213 : memref<128x128xf32, #tpu.memory_space<vmem_shared>>) target(%dma_start3A_211 : memref<128x128xf32, #tpu.memory_space<vmem>>) target_semaphore(%run_scoped3A : memref<!tpu.dma_semaphore, #tpu.memory_space<semaphore_mem>>)
      %dma_wait3A_214 = arith.constant 0 : i32
      %dma_wait3A_215 = arith.constant 0 : i32
      %dma_wait3A_216 = tpu.memref_slice %arg9[%dma_wait3A_214, %dma_wait3A_215] : memref<128x128xf32, #tpu.memory_space<vmem>> -> memref<128x128xf32, #tpu.memory_space<vmem>>
      %dma_wait3A_217 = arith.constant 0 : i32
      %dma_wait3A_218 = tpu.memref_slice %arg11[%add3A_199, %dma_wait3A_217] : memref<10112x128xf32, #tpu.memory_space<vmem_shared>> -> memref<128x128xf32, #tpu.memory_space<vmem_shared>>
      %dma_wait3A_219 = arith.constant 0 : i32
      %dma_wait3A_220 = arith.constant 0 : i32
      %dma_wait3A_221 = tpu.memref_slice %arg9[%dma_wait3A_219, %dma_wait3A_220] : memref<128x128xf32, #tpu.memory_space<vmem>> -> memref<128x128xf32, #tpu.memory_space<vmem>>
      %dma_wait3A_222 = arith.constant 0 : i32
      %dma_wait3A_223 = tpu.memref_slice %arg11[%add3A_199, %dma_wait3A_222] : memref<10112x128xf32, #tpu.memory_space<vmem_shared>> -> memref<128x128xf32, #tpu.memory_space<vmem_shared>>
      tpu.wait_dma2 semaphore(%run_scoped3A : memref<!tpu.dma_semaphore, #tpu.memory_space<semaphore_mem>>) src(%dma_wait3A_223 : memref<128x128xf32, #tpu.memory_space<vmem_shared>>) dst(%dma_wait3A_221 : memref<128x128xf32, #tpu.memory_space<vmem>>)
      tpu.yield
    }) : () -> ()
    "tpu.region"() ({
      %run_scoped3A = tpu.sem_alloc : memref<!tpu.dma_semaphore, #tpu.memory_space<semaphore_mem>>
      %dma_start3A_204 = arith.constant 0 : i32
      %dma_start3A_205 = arith.constant 0 : i32
      %dma_start3A_206 = tpu.memref_slice %arg9[%dma_start3A_204, %dma_start3A_205] : memref<128x128xf32, #tpu.memory_space<vmem>> -> memref<128x128xf32, #tpu.memory_space<vmem>>
      %dma_start3A_207 = arith.constant 0 : i32
      %dma_start3A_208 = tpu.memref_slice %arg6[%arg0, %add3A_199, %dma_start3A_207] : memref<2x10112x128xf32, #tpu.memory_space<hbm>> -> memref<1x128x128xf32, #tpu.memory_space<hbm>>
      %dma_start3A_209 = tpu.memref_squeeze %dma_start3A_208 : memref<1x128x128xf32, #tpu.memory_space<hbm>> -> memref<128x128xf32, #tpu.memory_space<hbm>>
      %dma_start3A_210 = arith.constant 0 : i32
      %dma_start3A_211 = tpu.memref_slice %arg6[%arg0, %add3A_199, %dma_start3A_210] : memref<2x10112x128xf32, #tpu.memory_space<hbm>> -> memref<1x128x128xf32, #tpu.memory_space<hbm>>
      %dma_start3A_212 = tpu.memref_squeeze %dma_start3A_211 : memref<1x128x128xf32, #tpu.memory_space<hbm>> -> memref<128x128xf32, #tpu.memory_space<hbm>>
      %dma_start3A_213 = arith.constant 0 : i32
      %dma_start3A_214 = arith.constant 0 : i32
      %dma_start3A_215 = tpu.memref_slice %arg9[%dma_start3A_213, %dma_start3A_214] : memref<128x128xf32, #tpu.memory_space<vmem>> -> memref<128x128xf32, #tpu.memory_space<vmem>>
      tpu.enqueue_dma source(%dma_start3A_215 : memref<128x128xf32, #tpu.memory_space<vmem>>) target(%dma_start3A_212 : memref<128x128xf32, #tpu.memory_space<hbm>>) target_semaphore(%run_scoped3A : memref<!tpu.dma_semaphore, #tpu.memory_space<semaphore_mem>>)
      %dma_wait3A_216 = arith.constant 0 : i32
      %dma_wait3A_217 = arith.constant 0 : i32
      %dma_wait3A_218 = tpu.memref_slice %arg9[%dma_wait3A_216, %dma_wait3A_217] : memref<128x128xf32, #tpu.memory_space<vmem>> -> memref<128x128xf32, #tpu.memory_space<vmem>>
      %dma_wait3A_219 = arith.constant 0 : i32
      %dma_wait3A_220 = tpu.memref_slice %arg6[%arg0, %add3A_199, %dma_wait3A_219] : memref<2x10112x128xf32, #tpu.memory_space<hbm>> -> memref<1x128x128xf32, #tpu.memory_space<hbm>>
      %dma_wait3A_221 = tpu.memref_squeeze %dma_wait3A_220 : memref<1x128x128xf32, #tpu.memory_space<hbm>> -> memref<128x128xf32, #tpu.memory_space<hbm>>
      %dma_wait3A_222 = arith.constant 0 : i32
      %dma_wait3A_223 = tpu.memref_slice %arg6[%arg0, %add3A_199, %dma_wait3A_222] : memref<2x10112x128xf32, #tpu.memory_space<hbm>> -> memref<1x128x128xf32, #tpu.memory_space<hbm>>
      %dma_wait3A_224 = tpu.memref_squeeze %dma_wait3A_223 : memref<1x128x128xf32, #tpu.memory_space<hbm>> -> memref<128x128xf32, #tpu.memory_space<hbm>>
      %dma_wait3A_225 = arith.constant 0 : i32
      %dma_wait3A_226 = arith.constant 0 : i32
      %dma_wait3A_227 = tpu.memref_slice %arg9[%dma_wait3A_225, %dma_wait3A_226] : memref<128x128xf32, #tpu.memory_space<vmem>> -> memref<128x128xf32, #tpu.memory_space<vmem>>
      tpu.wait_dma2 semaphore(%run_scoped3A : memref<!tpu.dma_semaphore, #tpu.memory_space<semaphore_mem>>) src(%dma_wait3A_227 : memref<128x128xf32, #tpu.memory_space<vmem>>) dst(%dma_wait3A_224 : memref<128x128xf32, #tpu.memory_space<hbm>>)
      tpu.yield
    }) : () -> ()
    %mul3A_200 = arith.constant 632 : i32
    %mul3A_201 = arith.muli %arg1, %mul3A_200 : i32
    %add3A_202 = arith.constant 512 : i32
    %add3A_203 = arith.addi %mul3A_201, %add3A_202 : i32
    "tpu.region"() ({
      %run_scoped3A = tpu.sem_alloc : memref<!tpu.dma_semaphore, #tpu.memory_space<semaphore_mem>>
      %dma_start3A_204 = arith.constant 0 : i32
      %dma_start3A_205 = arith.constant 0 : i32
      %dma_start3A_206 = tpu.memref_slice %arg9[%dma_start3A_204, %dma_start3A_205] : memref<128x128xf32, #tpu.memory_space<vmem>> -> memref<120x128xf32, #tpu.memory_space<vmem>>
      %dma_start3A_207 = arith.constant 0 : i32
      %dma_start3A_208 = tpu.memref_slice %arg11[%add3A_203, %dma_start3A_207] : memref<10112x128xf32, #tpu.memory_space<vmem_shared>> -> memref<120x128xf32, #tpu.memory_space<vmem_shared>>
      %dma_start3A_209 = arith.constant 0 : i32
      %dma_start3A_210 = arith.constant 0 : i32
      %dma_start3A_211 = tpu.memref_slice %arg9[%dma_start3A_209, %dma_start3A_210] : memref<128x128xf32, #tpu.memory_space<vmem>> -> memref<120x128xf32, #tpu.memory_space<vmem>>
      %dma_start3A_212 = arith.constant 0 : i32
      %dma_start3A_213 = tpu.memref_slice %arg11[%add3A_203, %dma_start3A_212] : memref<10112x128xf32, #tpu.memory_space<vmem_shared>> -> memref<120x128xf32, #tpu.memory_space<vmem_shared>>
      tpu.enqueue_dma source(%dma_start3A_213 : memref<120x128xf32, #tpu.memory_space<vmem_shared>>) target(%dma_start3A_211 : memref<120x128xf32, #tpu.memory_space<vmem>>) target_semaphore(%run_scoped3A : memref<!tpu.dma_semaphore, #tpu.memory_space<semaphore_mem>>)
      %dma_wait3A_214 = arith.constant 0 : i32
      %dma_wait3A_215 = arith.constant 0 : i32
      %dma_wait3A_216 = tpu.memref_slice %arg9[%dma_wait3A_214, %dma_wait3A_215] : memref<128x128xf32, #tpu.memory_space<vmem>> -> memref<120x128xf32, #tpu.memory_space<vmem>>
      %dma_wait3A_217 = arith.constant 0 : i32
      %dma_wait3A_218 = tpu.memref_slice %arg11[%add3A_203, %dma_wait3A_217] : memref<10112x128xf32, #tpu.memory_space<vmem_shared>> -> memref<120x128xf32, #tpu.memory_space<vmem_shared>>
      %dma_wait3A_219 = arith.constant 0 : i32
      %dma_wait3A_220 = arith.constant 0 : i32
      %dma_wait3A_221 = tpu.memref_slice %arg9[%dma_wait3A_219, %dma_wait3A_220] : memref<128x128xf32, #tpu.memory_space<vmem>> -> memref<120x128xf32, #tpu.memory_space<vmem>>
      %dma_wait3A_222 = arith.constant 0 : i32
      %dma_wait3A_223 = tpu.memref_slice %arg11[%add3A_203, %dma_wait3A_222] : memref<10112x128xf32, #tpu.memory_space<vmem_shared>> -> memref<120x128xf32, #tpu.memory_space<vmem_shared>>
      tpu.wait_dma2 semaphore(%run_scoped3A : memref<!tpu.dma_semaphore, #tpu.memory_space<semaphore_mem>>) src(%dma_wait3A_223 : memref<120x128xf32, #tpu.memory_space<vmem_shared>>) dst(%dma_wait3A_221 : memref<120x128xf32, #tpu.memory_space<vmem>>)
      tpu.yield
    }) : () -> ()
    "tpu.region"() ({
      %run_scoped3A = tpu.sem_alloc : memref<!tpu.dma_semaphore, #tpu.memory_space<semaphore_mem>>
      %dma_start3A_204 = arith.constant 0 : i32
      %dma_start3A_205 = arith.constant 0 : i32
      %dma_start3A_206 = tpu.memref_slice %arg9[%dma_start3A_204, %dma_start3A_205] : memref<128x128xf32, #tpu.memory_space<vmem>> -> memref<120x128xf32, #tpu.memory_space<vmem>>
      %dma_start3A_207 = arith.constant 0 : i32
      %dma_start3A_208 = tpu.memref_slice %arg6[%arg0, %add3A_203, %dma_start3A_207] : memref<2x10112x128xf32, #tpu.memory_space<hbm>> -> memref<1x120x128xf32, #tpu.memory_space<hbm>>
      %dma_start3A_209 = tpu.memref_squeeze %dma_start3A_208 : memref<1x120x128xf32, #tpu.memory_space<hbm>> -> memref<120x128xf32, #tpu.memory_space<hbm>>
      %dma_start3A_210 = arith.constant 0 : i32
      %dma_start3A_211 = tpu.memref_slice %arg6[%arg0, %add3A_203, %dma_start3A_210] : memref<2x10112x128xf32, #tpu.memory_space<hbm>> -> memref<1x120x128xf32, #tpu.memory_space<hbm>>
      %dma_start3A_212 = tpu.memref_squeeze %dma_start3A_211 : memref<1x120x128xf32, #tpu.memory_space<hbm>> -> memref<120x128xf32, #tpu.memory_space<hbm>>
      %dma_start3A_213 = arith.constant 0 : i32
      %dma_start3A_214 = arith.constant 0 : i32
      %dma_start3A_215 = tpu.memref_slice %arg9[%dma_start3A_213, %dma_start3A_214] : memref<128x128xf32, #tpu.memory_space<vmem>> -> memref<120x128xf32, #tpu.memory_space<vmem>>
      tpu.enqueue_dma source(%dma_start3A_215 : memref<120x128xf32, #tpu.memory_space<vmem>>) target(%dma_start3A_212 : memref<120x128xf32, #tpu.memory_space<hbm>>) target_semaphore(%run_scoped3A : memref<!tpu.dma_semaphore, #tpu.memory_space<semaphore_mem>>)
      %dma_wait3A_216 = arith.constant 0 : i32
      %dma_wait3A_217 = arith.constant 0 : i32
      %dma_wait3A_218 = tpu.memref_slice %arg9[%dma_wait3A_216, %dma_wait3A_217] : memref<128x128xf32, #tpu.memory_space<vmem>> -> memref<120x128xf32, #tpu.memory_space<vmem>>
      %dma_wait3A_219 = arith.constant 0 : i32
      %dma_wait3A_220 = tpu.memref_slice %arg6[%arg0, %add3A_203, %dma_wait3A_219] : memref<2x10112x128xf32, #tpu.memory_space<hbm>> -> memref<1x120x128xf32, #tpu.memory_space<hbm>>
      %dma_wait3A_221 = tpu.memref_squeeze %dma_wait3A_220 : memref<1x120x128xf32, #tpu.memory_space<hbm>> -> memref<120x128xf32, #tpu.memory_space<hbm>>
      %dma_wait3A_222 = arith.constant 0 : i32
      %dma_wait3A_223 = tpu.memref_slice %arg6[%arg0, %add3A_203, %dma_wait3A_222] : memref<2x10112x128xf32, #tpu.memory_space<hbm>> -> memref<1x120x128xf32, #tpu.memory_space<hbm>>
      %dma_wait3A_224 = tpu.memref_squeeze %dma_wait3A_223 : memref<1x120x128xf32, #tpu.memory_space<hbm>> -> memref<120x128xf32, #tpu.memory_space<hbm>>
      %dma_wait3A_225 = arith.constant 0 : i32
      %dma_wait3A_226 = arith.constant 0 : i32
      %dma_wait3A_227 = tpu.memref_slice %arg9[%dma_wait3A_225, %dma_wait3A_226] : memref<128x128xf32, #tpu.memory_space<vmem>> -> memref<120x128xf32, #tpu.memory_space<vmem>>
      tpu.wait_dma2 semaphore(%run_scoped3A : memref<!tpu.dma_semaphore, #tpu.memory_space<semaphore_mem>>) src(%dma_wait3A_227 : memref<120x128xf32, #tpu.memory_space<vmem>>) dst(%dma_wait3A_224 : memref<120x128xf32, #tpu.memory_space<hbm>>)
      tpu.yield
    }) : () -> ()
    return
  }
}

module attributes {stable_mosaic.version = 14 : i64} {
  func.func @_lin_scale_body(%arg0: i32, %arg1: i32, %arg2: memref<1000x1xf32, #tpu.memory_space<vmem>>, %arg3: memref<1000x1xf32, #tpu.memory_space<vmem>>, %arg4: memref<1000x256xf32, #tpu.memory_space<vmem>>, %arg5: memref<128x256xf32, #tpu.memory_space<vmem>>, %arg6: memref<1x128xf32, #tpu.memory_space<vmem>>, %arg7: memref<1000x128xf32, #tpu.memory_space<vmem>>, %arg8: memref<1000x1xf32, #tpu.memory_space<vmem>>, %arg9: memref<1000x128xf32, #tpu.memory_space<vmem>>) attributes {dimension_semantics = [#tpu.dimension_semantics<arbitrary>, #tpu.dimension_semantics<arbitrary>], iteration_bounds = array<i64: 2, 10>, scalar_prefetch = 0 : i64, scratch_operands = 0 : i64, tpu.core_type = #tpu.core_type<tc>, window_params = [{transform_indices = @transform_0, window_bounds = array<i64: 1000, 1>}, {transform_indices = @transform_1, window_bounds = array<i64: 1000, 1>}, {transform_indices = @transform_2, window_bounds = array<i64: 1000, 256>}, {transform_indices = @transform_3, window_bounds = array<i64: 128, 256>}, {transform_indices = @transform_4, window_bounds = array<i64: 1, 128>}, {transform_indices = @transform_5, window_bounds = array<i64: 1000, 128>}, {transform_indices = @transform_6, window_bounds = array<i64: 1000, 1>}, {transform_indices = @transform_7, window_bounds = array<i64: 1000, 128>}]} {
    %get3A = arith.constant 0 : index
    %get3A_0 = arith.constant 0 : index
    %get3A_1 = vector.load %arg4[%get3A, %get3A_0] : memref<1000x256xf32, #tpu.memory_space<vmem>>, vector<1000x256xf32>
    %get3A_2 = arith.constant 0 : index
    %get3A_3 = arith.constant 0 : index
    %get3A_4 = vector.load %arg5[%get3A_2, %get3A_3] : memref<128x256xf32, #tpu.memory_space<vmem>>, vector<128x256xf32>
    %dot_general3A = arith.constant dense<0.000000e+00> : vector<1000x128xf32>
    %dot_general3A_5 = tpu.matmul %get3A_1, %get3A_4, %dot_general3A {dimension_numbers = #tpu.dot_dimension_numbers<[1], [1], [0], [0], [0, 0, 1, 0], [], []>, transpose_lhs_hint = false} : vector<1000x256xf32>, vector<128x256xf32>, vector<1000x128xf32> -> vector<1000x128xf32>
    %get3A_6 = arith.constant 0 : index
    %get3A_7 = arith.constant 0 : index
    %get3A_8 = vector.load %arg6[%get3A_6, %get3A_7] : memref<1x128xf32, #tpu.memory_space<vmem>>, vector<1x128xf32>
    %add3A = vector.broadcast %get3A_8 : vector<1x128xf32> to vector<1000x128xf32>
    %add3A_9 = arith.addf %dot_general3A_5, %add3A : vector<1000x128xf32>
    %swap3A = arith.constant 0 : index
    %swap3A_10 = arith.constant 0 : index
    %swap3A_11 = vector.load %arg7[%swap3A, %swap3A_10] : memref<1000x128xf32, #tpu.memory_space<vmem>>, vector<1000x128xf32>
    tpu.vector_store %arg7[%swap3A, %swap3A_10], %add3A_9 {strides = array<i32>} : memref<1000x128xf32, #tpu.memory_space<vmem>>, vector<1000x128xf32>,
    %get3A_12 = arith.constant 0 : index
    %get3A_13 = arith.constant 0 : index
    %get3A_14 = vector.load %arg2[%get3A_12, %get3A_13] : memref<1000x1xf32, #tpu.memory_space<vmem>>, vector<1000x1xf32>
    %get3A_15 = arith.constant 0 : index
    %get3A_16 = arith.constant 0 : index
    %get3A_17 = vector.load %arg3[%get3A_15, %get3A_16] : memref<1000x1xf32, #tpu.memory_space<vmem>>, vector<1000x1xf32>
    %add3A_18 = arith.addf %get3A_14, %get3A_17 : vector<1000x1xf32>
    %gt3A = arith.constant 0.000000e+00 : f32
    %gt3A_19 = vector.broadcast %gt3A : f32 to vector<1000x1xf32>
    %gt3A_20 = arith.cmpf ogt, %add3A_18, %gt3A_19 : vector<1000x1xf32>
    %max3A = arith.constant 1.000000e+00 : f32
    %max3A_21 = vector.broadcast %max3A : f32 to vector<1000x1xf32>
    %max3A_22 = arith.maximumf %add3A_18, %max3A_21 : vector<1000x1xf32>
    %rsqrt3A = math.rsqrt %max3A_22 : vector<1000x1xf32>
    %jit3A = arith.constant 0.000000e+00 : f32
    %broadcast_in_dim3A = vector.broadcast %jit3A : f32 to vector<1000x1xf32>
    %select_n3A = arith.select %gt3A_20, %rsqrt3A, %broadcast_in_dim3A : vector<1000x1xi1>, vector<1000x1xf32>
    %swap3A_23 = arith.constant 0 : index
    %swap3A_24 = arith.constant 0 : index
    %swap3A_25 = vector.load %arg8[%swap3A_23, %swap3A_24] : memref<1000x1xf32, #tpu.memory_space<vmem>>, vector<1000x1xf32>
    tpu.vector_store %arg8[%swap3A_23, %swap3A_24], %select_n3A {strides = array<i32>} : memref<1000x1xf32, #tpu.memory_space<vmem>>, vector<1000x1xf32>,
    %mul3A = vector.broadcast %select_n3A : vector<1000x1xf32> to vector<1000x128xf32>
    %mul3A_26 = arith.mulf %add3A_9, %mul3A : vector<1000x128xf32>
    %swap3A_27 = arith.constant 0 : index
    %swap3A_28 = arith.constant 0 : index
    %swap3A_29 = vector.load %arg9[%swap3A_27, %swap3A_28] : memref<1000x128xf32, #tpu.memory_space<vmem>>, vector<1000x128xf32>
    tpu.vector_store %arg9[%swap3A_27, %swap3A_28], %mul3A_26 {strides = array<i32>} : memref<1000x128xf32, #tpu.memory_space<vmem>>, vector<1000x128xf32>,
    return
  }
  func.func @transform_0(%arg0: i32, %arg1: i32) -> (i32, i32) {
    %c0_i32 = arith.constant 0 : i32
    %c0_i32_0 = arith.constant 0 : i32
    return %arg1, %c0_i32 : i32, i32
  }
  func.func @transform_1(%arg0: i32, %arg1: i32) -> (i32, i32) {
    %c0_i32 = arith.constant 0 : i32
    %c0_i32_0 = arith.constant 0 : i32
    return %arg1, %c0_i32 : i32, i32
  }
  func.func @transform_2(%arg0: i32, %arg1: i32) -> (i32, i32) {
    %c0_i32 = arith.constant 0 : i32
    %c0_i32_0 = arith.constant 0 : i32
    return %arg1, %c0_i32 : i32, i32
  }
  func.func @transform_3(%arg0: i32, %arg1: i32) -> (i32, i32) {
    %c0_i32 = arith.constant 0 : i32
    %c0_i32_0 = arith.constant 0 : i32
    return %arg0, %c0_i32 : i32, i32
  }
  func.func @transform_4(%arg0: i32, %arg1: i32) -> (i32, i32) {
    %c0_i32 = arith.constant 0 : i32
    %c0_i32_0 = arith.constant 0 : i32
    return %c0_i32, %arg0 : i32, i32
  }
  func.func @transform_5(%arg0: i32, %arg1: i32) -> (i32, i32) {
    %c0_i32 = arith.constant 0 : i32
    return %arg1, %arg0 : i32, i32
  }
  func.func @transform_6(%arg0: i32, %arg1: i32) -> (i32, i32) {
    %c0_i32 = arith.constant 0 : i32
    %c0_i32_0 = arith.constant 0 : i32
    return %arg1, %c0_i32 : i32, i32
  }
  func.func @transform_7(%arg0: i32, %arg1: i32) -> (i32, i32) {
    %mul3A = arith.constant 10 : i32
    %mul3A_0 = arith.muli %arg0, %mul3A : i32
    %add3A = arith.addi %mul3A_0, %arg1 : i32
    %c0_i32 = arith.constant 0 : i32
    %c0_i32_1 = arith.constant 0 : i32
    return %add3A, %c0_i32 : i32, i32
  }
}

module attributes {stable_mosaic.version = 14 : i64} {
  func.func @_final_body(%arg0: i32, %arg1: memref<1x1000x128xf32, #tpu.memory_space<vmem>>, %arg2: memref<1x1000x128xf32, #tpu.memory_space<vmem>>, %arg3: memref<1000x256xf32, #tpu.memory_space<vmem>>, %arg4: memref<1000x1xf32, #tpu.memory_space<vmem>>, %arg5: memref<1x256xf32, #tpu.memory_space<vmem>>, %arg6: memref<1000x256xf32, #tpu.memory_space<vmem>>) attributes {dimension_semantics = [#tpu.dimension_semantics<arbitrary>], iteration_bounds = array<i64: 10>, scalar_prefetch = 0 : i64, scratch_operands = 0 : i64, tpu.core_type = #tpu.core_type<tc>, window_params = [{transform_indices = @transform_0, window_bounds = array<i64: 1, 1000, 128>}, {transform_indices = @transform_1, window_bounds = array<i64: 1, 1000, 128>}, {transform_indices = @transform_2, window_bounds = array<i64: 1000, 256>}, {transform_indices = @transform_3, window_bounds = array<i64: 1000, 1>}, {pipeline_mode = #tpu.pipeline_mode<synchronous>, transform_indices = @transform_4, window_bounds = array<i64: 1, 256>}, {transform_indices = @transform_5, window_bounds = array<i64: 1000, 256>}]} {
    %get3A = arith.constant 0 : index
    %get3A_0 = arith.constant 0 : index
    %get3A_1 = arith.constant 0 : index
    %get3A_2 = vector.load %arg1[%get3A, %get3A_0, %get3A_1] : memref<1x1000x128xf32, #tpu.memory_space<vmem>>, vector<1x1000x128xf32>
    %get3A_3 = vector.shape_cast %get3A_2 : vector<1x1000x128xf32> to vector<1000x128xf32>
    %get3A_4 = arith.constant 0 : index
    %get3A_5 = arith.constant 0 : index
    %get3A_6 = arith.constant 0 : index
    %get3A_7 = vector.load %arg2[%get3A_4, %get3A_5, %get3A_6] : memref<1x1000x128xf32, #tpu.memory_space<vmem>>, vector<1x1000x128xf32>
    %get3A_8 = vector.shape_cast %get3A_7 : vector<1x1000x128xf32> to vector<1000x128xf32>
    %concatenate3A = tpu.concatenate %get3A_3, %get3A_8 in 1 : vector<1000x128xf32>, vector<1000x128xf32> -> vector<1000x256xf32>
    %get3A_9 = arith.constant 0 : index
    %get3A_10 = arith.constant 0 : index
    %get3A_11 = vector.load %arg4[%get3A_9, %get3A_10] : memref<1000x1xf32, #tpu.memory_space<vmem>>, vector<1000x1xf32>
    %mul3A = vector.broadcast %get3A_11 : vector<1000x1xf32> to vector<1000x256xf32>
    %mul3A_12 = arith.mulf %concatenate3A, %mul3A : vector<1000x256xf32>
    %get3A_13 = arith.constant 0 : index
    %get3A_14 = arith.constant 0 : index
    %get3A_15 = vector.load %arg3[%get3A_13, %get3A_14] : memref<1000x256xf32, #tpu.memory_space<vmem>>, vector<1000x256xf32>
    %get3A_16 = arith.constant 0 : index
    %get3A_17 = arith.constant 0 : index
    %get3A_18 = vector.load %arg5[%get3A_16, %get3A_17] : memref<1x256xf32, #tpu.memory_space<vmem>>, vector<1x256xf32>
    %mul3A_19 = vector.broadcast %get3A_18 : vector<1x256xf32> to vector<1000x256xf32>
    %mul3A_20 = arith.mulf %get3A_15, %mul3A_19 : vector<1000x256xf32>
    %add3A = arith.addf %mul3A_12, %mul3A_20 : vector<1000x256xf32>
    %max3A = arith.constant 0.000000e+00 : f32
    %max3A_21 = vector.broadcast %max3A : f32 to vector<1000x256xf32>
    %max3A_22 = arith.maximumf %add3A, %max3A_21 : vector<1000x256xf32>
    %swap3A = arith.constant 0 : index
    %swap3A_23 = arith.constant 0 : index
    %swap3A_24 = vector.load %arg6[%swap3A, %swap3A_23] : memref<1000x256xf32, #tpu.memory_space<vmem>>, vector<1000x256xf32>
    tpu.vector_store %arg6[%swap3A, %swap3A_23], %max3A_22 {strides = array<i32>} : memref<1000x256xf32, #tpu.memory_space<vmem>>, vector<1000x256xf32>,
    return
  }
  func.func @transform_0(%arg0: i32) -> (i32, i32, i32) {
    %c0_i32 = arith.constant 0 : i32
    %c0_i32_0 = arith.constant 0 : i32
    %c0_i32_1 = arith.constant 0 : i32
    return %c0_i32, %arg0, %c0_i32_0 : i32, i32, i32
  }
  func.func @transform_1(%arg0: i32) -> (i32, i32, i32) {
    %c1_i32 = arith.constant 1 : i32
    %c0_i32 = arith.constant 0 : i32
    %c0_i32_0 = arith.constant 0 : i32
    return %c1_i32, %arg0, %c0_i32 : i32, i32, i32
  }
  func.func @transform_2(%arg0: i32) -> (i32, i32) {
    %c0_i32 = arith.constant 0 : i32
    %c0_i32_0 = arith.constant 0 : i32
    return %arg0, %c0_i32 : i32, i32
  }
  func.func @transform_3(%arg0: i32) -> (i32, i32) {
    %c0_i32 = arith.constant 0 : i32
    %c0_i32_0 = arith.constant 0 : i32
    return %arg0, %c0_i32 : i32, i32
  }
  func.func @transform_4(%arg0: i32) -> (i32, i32) {
    %c0_i32 = arith.constant 0 : i32
    %c0_i32_0 = arith.constant 0 : i32
    %c0_i32_1 = arith.constant 0 : i32
    return %c0_i32, %c0_i32_0 : i32, i32
  }
  func.func @transform_5(%arg0: i32) -> (i32, i32) {
    %c0_i32 = arith.constant 0 : i32
    %c0_i32_0 = arith.constant 0 : i32
    return %arg0, %c0_i32 : i32, i32
  }
}

</mosaic_0001>

<sc_bundles>
// kernel: kernel.6.cloned.1.call-start
scs
__scs_entry_jumppad:
0x0: {  	(pc) =	sbr.rel $0x88, $3  }
0x1: {  	(tag) =	ssettag $0x0;
	lr =	simm.s32 $0x1  }
0x2: {  	[smem:$0x3F9C] =	sst lr;
	_ =	strace $0xD0000000  }
0x3: {  	_ = 	snop  }
0x4: {  	_ = 	snop  }
0x5: {  	_ = 	snop  }
0x6: {  	_ = 	snop  }
0x7: {  	_ = 	snop  }
__scs_overlays_trampoline_lowered:
0x8: {  	[smem:$0x3FAB] =	sst s0  }
0x9: {  	[smem:$0x3FAC] =	sst s1  }
0xa: {  	[smem:$0x3FAD] =	sst s2  }
0xb: {  	[smem:$0x3FAE] =	sst s3  }
0xc: {  	[smem:$0x3FAF] =	sst s4  }
0xd: {  	[smem:$0x3FB0] =	sst s5  }
0xe: {  	[smem:$0x3FB1] =	sst s6  }
0xf: {  	[smem:$0x3FB2] =	sst s7  }
0x10: {  	[smem:$0x3FB3] =	sst s8  }
0x11: {  	[smem:$0x3FB4] =	sst s9;
	s0 =	simm.s32 @!p0 $0x0  }
0x12: {  	s1 =	sld [smem:$0x3F9A];
	s0 =	simm.s32 @p0 $0x1  }
0x13: {  	[smem:$0x3FB5] =	sst s0;
	s0 =	simm.s32 @!p1 $0x0  }
0x14: {  	s2 =	sld [smem:$0x3F99];
	s0 =	simm.s32 @p1 $0x1  }
0x15: {  	[smem:$0x3FB6] =	sst s0;
	s0 =	simm.s32 @!p2 $0x0  }
0x16: {  	s3 =	sld [smem:$0x3FDB];
	s0 =	simm.s32 @p2 $0x1  }
0x17: {  	s4 =	simm.s32 $0x1BF5;
	[smem:$0x3FB8] =	sst s0  }
0x18: {  	s0 =	sld [smem:$0x3F9B];
	_ =	swait.ge [sflag:s4], $0x0  }
0x19: {  	s7 =	sld [smem:$0x3F9C]  }
0x1a: {  	s8 =	sadd.s32 $0xFFFFE003, lr  }
0x1b: {  	s9 =	sadd.s32 $0xFFFFFEF7, lr;
	s5 =	simm.s32 $0xFFFFFFFF;
	p2 =	slt.u32 s8, $0xFFFFF086  }
0x1c: {  	p1 =	slt.u32 s9, $0xF7A;
	s5 =	simm.s32 @!p2 $0x0  }
0x1d: {  	s5 =	simm.s32 @p1 $0x1;
	p0 =	seq.s32 s7, s2  }
0x1e: {  	s7 =	smul.u32 @!p0 $0xF7A, s2;
	p2 =	seq.s32 @!p0 s5, $0x0  }
0x1f: {  	s9 =	smul.u32 $0xF7A, s1;
	s8 =	simm.s32 @!p0 $0x1BF5;
	p2 =	por !p2, p0  }
0x20: {  	[sflag:s8] =	ssyncset.s32 @!p0 $0xFFFFF086;
	s6 =	sadd.s32 @!p0 s3, s7;
	s7 =	simm.s32 @!p0 $0x108  }
0x21: {  	s3 =	sadd.s32 s3, s9;
	s6 =	sadd.s32 @!p0 $0x88, s6;
	s7 =	simm.s32 @p2 $0x1082  }
0x22: {  	[simem:s7], [sflag:s8] =	dma.local @!p0 [hbm:s6], $0xF7A  }
0x23: {  	s9 =	sor.u32 $0xD0000000, s2;
	s6 =	simm.s32 $0x108;
	_ =	swait.ge @!p0 [sflag:s8], $0x0  }
0x24: {  	s3 =	sadd.s32 $0x88, s3;
	s6 =	simm.s32 @!p1 $0x1082;
	[sflag:s4] =	ssyncset.s32 $0xFFFFF086  }
0x25: {  	[simem:s6], [sflag:s4] =	dma.local [hbm:s3], $0xF7A  }
0x26: {  	[smem:$0x3F9C] =	sst s1;
	(tag) =	ssettag s2;
	_ =	strace s9  }
0x27: {  	s1 =	sld [smem:$0x3FAC]  }
0x28: {  	s2 =	sld [smem:$0x3FAD]  }
0x29: {  	s4 =	sld [smem:$0x3FAF]  }
0x2a: {  	p0 =	seq.s32 s5, $0x0;
	s5 =	sld [smem:$0x3FB0]  }
0x2b: {  	s6 =	sld [smem:$0x3FB1]  }
0x2c: {  	s7 =	sld [smem:$0x3FB2]  }
0x2d: {  	s3 =	simm.s32 $0x108;
	s8 =	sld [smem:$0x3FB3]  }
0x2e: {  	s3 =	simm.s32 @!p0 $0x1082;
	s9 =	sld [smem:$0x3FB4]  }
0x2f: {  	lr =	sadd.s32 s0, s3;
	s0 =	sld [smem:$0x3FAB]  }
0x30: {  	s3 =	sld [smem:$0x3FAE]  }
0x31: {  	[smem:$0x3FB7] =	sst s10  }
0x32: {  	s10 =	sld [smem:$0x3FB5];
	_ =	sdelay $0x3  }
0x33: {  	p0 =	seq.s32 s10, $0x1;
	s10 =	sld [smem:$0x3FB7];
	_ =	sdelay $0x3  }
0x34: {  	[smem:$0x3FB7] =	sst s10  }
0x35: {  	s10 =	sld [smem:$0x3FB6];
	_ =	sdelay $0x3  }
0x36: {  	p1 =	seq.s32 s10, $0x1;
	s10 =	sld [smem:$0x3FB7];
	_ =	sdelay $0x3  }
0x37: {  	[smem:$0x3FB7] =	sst s10  }
0x38: {  	s10 =	sld [smem:$0x3FB8]  }
0x39: {  	_ = 	snop;
	(pc) =	sbr.ind lr, $3  }
0x3a: {  	_ = 	snop  }
0x3b: {  	_ = 	snop  }
0x3c: {  	p2 =	seq.s32 s10, $0x1;
	s10 =	sld [smem:$0x3FB7]  }
0x3d: {  	_ =	shalt  }
0x3e: {  	_ =	shalt  }
0x3f: {  	_ =	shalt  }
0x40: {  	_ =	shalt  }
0x41: {  	_ =	shalt  }
0x42: {  	_ =	shalt  }
0x43: {  	_ =	shalt  }
0x44: {  	_ =	shalt  }
0x45: {  	_ =	shalt  }
0x46: {  	_ =	shalt  }
0x47: {  	_ =	shalt  }
0x48: {  	_ =	shalt  }
0x49: {  	_ =	shalt  }
0x4a: {  	_ =	shalt  }
0x4b: {  	_ =	shalt  }
0x4c: {  	_ =	shalt  }
0x4d: {  	_ =	shalt  }
0x4e: {  	_ =	shalt  }
0x4f: {  	_ =	shalt  }
0x50: {  	_ =	shalt  }
0x51: {  	_ =	shalt  }
0x52: {  	_ =	shalt  }
0x53: {  	_ =	shalt  }
0x54: {  	_ =	shalt  }
0x55: {  	_ =	shalt  }
0x56: {  	_ =	shalt  }
0x57: {  	_ =	shalt  }
0x58: {  	_ =	shalt  }
0x59: {  	_ =	shalt  }
0x5a: {  	_ =	shalt  }
0x5b: {  	_ =	shalt  }
0x5c: {  	_ =	shalt  }
0x5d: {  	_ =	shalt  }
0x5e: {  	_ =	shalt  }
0x5f: {  	_ =	shalt  }
0x60: {  	_ =	shalt  }
0x61: {  	_ =	shalt  }
0x62: {  	_ =	shalt  }
0x63: {  	_ =	shalt  }
0x64: {  	_ =	shalt  }
0x65: {  	_ =	shalt  }
0x66: {  	_ =	shalt  }
0x67: {  	_ =	shalt  }
0x68: {  	_ =	shalt  }
0x69: {  	_ =	shalt  }
0x6a: {  	_ =	shalt  }
0x6b: {  	_ =	shalt  }
0x6c: {  	_ =	shalt  }
0x6d: {  	_ =	shalt  }
0x6e: {  	_ =	shalt  }
0x6f: {  	_ =	shalt  }
0x70: {  	_ =	shalt  }
0x71: {  	_ =	shalt  }
0x72: {  	_ =	shalt  }
0x73: {  	_ =	shalt  }
0x74: {  	_ =	shalt  }
0x75: {  	_ =	shalt  }
0x76: {  	_ =	shalt  }
0x77: {  	_ =	shalt  }
0x78: {  	_ =	shalt  }
0x79: {  	_ =	shalt  }
0x7a: {  	_ =	shalt  }
0x7b: {  	_ =	shalt  }
0x7c: {  	_ =	shalt  }
0x7d: {  	_ =	shalt  }
0x7e: {  	_ =	shalt  }
0x7f: {  	_ =	shalt  }
0x80: {  	_ =	shalt  }
0x81: {  	_ =	shalt  }
0x82: {  	_ =	shalt  }
0x83: {  	_ =	shalt  }
0x84: {  	_ =	shalt  }
0x85: {  	_ =	shalt  }
0x86: {  	_ =	shalt  }
0x87: {  	_ =	shalt  }
.Lfunc_end0:
.L_simem_size_0:
called_computation_lowered:
.L_overlay_start_0:
0x88: {  	s2 =	sld [smem:$0x3FD9]  }
0x89: {  	s3 =	sld [smem:$0x3FFE];
	_ =	sdelay $0x1  }
0x8a: {  	s1 =	srdreg.scid  }
0x8b: {  	s0 =	sand.u32 $0x1, s1  }
0x8c: {  	s17 =	sshll.u32 s0, $0xA;
	s2 =	sadd.s32 s3, s2  }
0x8d: {  	s2 =	sadd.s32 s2, s17  }
0x8e: {  	[smem:$0x3FC3] =	sst s2  }
0x8f: {  	_ = 	snop  }
0x90: {  	s2 =	sld [smem:$0x3FD0];
	(tm) =	ssettm $0x1  }
0x91: {  	s18 =	sld [smem:$0x3FFB];
	_ =	sdelay $0x3  }
0x92: {  	_ =	strace s18  }
0x93: {  	s3 =	sld [smem:$0x3FFC];
	_ =	sdelay $0x3  }
0x94: {  	_ =	strace s3  }
0x95: {  	s3 =	sld [smem:$0x3FFD];
	_ =	sdelay $0x3  }
0x96: {  	_ =	strace s3  }
0x97: {  	_ =	strace $0x8FFFFFFF  }
0x98: {  	s19 =	sld [smem:$0x3FDB];
	_ =	sdelay $0x1  }
0x99: {  	s4 =	simm.s32 $_scs_section_size  }
0x9a: {  	s5 =	simm.s32 $_size__tile_overlayer_lowered;
	s6 =	simm.s32 $_tile_overlayer_lowered  }
0x9b: {  	s22 =	simm.s32 $0x1BFF;
	s21 =	sshll.u32 s6, $0x1;
	s3 =	sadd.s32 s4, s19  }
0x9c: {  	s7 =	simm.s32 $0x0;
	s20 =	sshll.u32 s5, $0x1;
	s5 =	sadd.s32 s21, s3  }
0x9d: {  	[timem:s7], [sflag:s22] =	dma.local [hbm:s5], s20  }
0x9e: {  	_ =	swait.ge [sflag:s22], s20  }
0x9f: {  	s4 =	ssub.s32 $0x0, s20;
	[sflag:s22] =	ssyncset.done $0x0  }
0xa0: {  	[sflag:s22] =	ssyncadd.s32 s4;
	_ =	sdelay $0x1  }
0xa1: {  	s23 =	simm.s32 $0x1B8B  }
0xa2: {  	_ =	swait.ge [sflag:s23], $0x1  }
0xa3: {  	[sflag:s23] =	ssyncset.done $0x0  }
0xa4: {  	s25 =	simm.s32 $0x1B8E;
	s24 =	sld [smem:$0x3FFE];
	[sflag:s23] =	ssyncadd.s32 $0xFFFFFFFF  }
0xa5: {  	s26 =	simm.s32 $execute0_lowered;
	[smem:$0x3FD2] =	sst s25  }
0xa6: {  	s5 =	sshll.u32 s26, $0x1;
	_ =	strace $0x80000046;
	[dreg:$0x1] =	wrdreg $0xFFFFFFFF  }
0xa7: {  	s28 =	simm.s32 $_size_execute0_lowered;
	s3 =	sadd.s32 s3, s5;
	[dreg:$0x0] =	wrdreg $0x0  }
0xa8: {  	s5 =	sshll.u32 s28, $0x1;
	[dreg:$0x2] =	wrdreg s3  }
0xa9: {  	[dreg:$0x3] =	wrdreg s5  }
0xaa: {  	[dreg:$0x4] =	wrdreg $0xC0  }
0xab: {  	_ =	task [dreg:s7], $0x5FFFF  }
0xac: {  	[dreg:$0x1] =	wrdreg $0xFFFFFFFF  }
0xad: {  	[dreg:$0x0] =	wrdreg $0x60  }
0xae: {  	[dreg:$0x2] =	wrdreg s24  }
0xaf: {  	[dreg:$0x3] =	wrdreg s2  }
0xb0: {  	[dreg:$0x4] =	wrdreg $0x3C000  }
0xb1: {  	[dreg:$0x5] =	wrdreg $0x9  }
0xb2: {  	_ =	task.clear_ibuf [dreg:s7], $0x6FFFF;
	_ =	strace $0x90000046  }
0xb3: {  	s29 =	simm.s32 $0x9;
	_ =	strace $0x80000048  }
0xb4: {  	_ =	swait.ge [sflag:s29], $0x1  }
0xb5: {  	[sflag:s29] =	ssyncadd.s32 $0xFFFFFFFF  }
0xb6: {  	_ =	strace $0x90000048  }
0xb7: {  	_ =	sfence  }
0xb8: {  	s30 =	sld [smem:$0x0];
	_ =	sdelay $0x2  }
0xb9: {  	s31 =	sshll.u32 s1, $0xD;
	s1 =	sshrl.u32 s1, $0x2  }
0xba: {  	s3 =	sand.u32 $0x4000, s31;
	s1 =	sadd.s32 s1, s30  }
0xbb: {  	s0 =	sor.u32 s3, s0;
	s1 =	sshll.u32 s1, $0x11  }
0xbc: {  	s0 =	sor.u32 s1, s0  }
0xbd: {  	s0 =	sadd.s32 $0x8F2B, s0  }
0xbe: {  	[sflag:s0] =	ssyncadd.remote.s32 $0x1  }
0xbf: {  	_ =	sfence.sel $0xFFFF  }
0xc0: {  	[dreg:$0x0] =	wrdreg $0xFFFFFFFF;
	(pc) =	sbr.abs _section_cstart, $3  }
0xc1: {  	[dreg:$0x1] =	wrdreg $0xFFFFFFFF  }
0xc2: {  	_ =	task.clear_ibuf [dreg:s7], $0x2FFFF;
	_ =	strace $0x9FFFFFFF  }
0xc3: {  	(tm) =	ssettm $0x7FFFFFFF  }
tec
execute0_lowered:
.L_overlay_start_1:
0x0: {  	(tag) =	ssettag $0x1  }
0x1: {  	s3 =	rddreg [dreg:$0x0]  }
0x2: {  	s0 =	srdreg.scid;
	s5 =	rddreg [dreg:$0x1]  }
0x3: {  	s1 =	rddreg [dreg:$0x2];
	s7 =	stileid.u32  }
0x4: {  	s2 =	simm.s32 $0x0;
	s4 =	sand.u32 $0x1, s0;
	s0 =	rddreg [dreg:$0x3]  }
0x5: {  	s10 =	simm.s32 $0x0;
	[smem:$0x7FF] =	sst s2;
	s6 =	sshll.u32 s4, $0x4  }
0x6: {  	p0 =	sne.s32 s7, $0x0;
	s4 =	ssub.s32 $0x2, s4;
	s8 =	sor.u32 s7, s6  }
0x7: {  	_ =	strace $0x80000047;
	s9 =	sshrl.u32 s4, $0x1;
	s8 =	smul.u32 $0x280, s8  }
0x8: {  	s5 =	sadd.s32 s5, s6;
	s7 =	simm.s32 $0x1;
	s9 =	ssub.s32 s4, s9  }
0x9: {  	s6 =	smax.u32 s9, $0x1;
	s9 =	simm.s32 $0x1400;
	s8 =	sadd.s32 s8, s3  }
0xa: {  	v0 =	vimm.f32 $1.000000000e+00;
	s3 =	sadd.s32 $0x6600, s3;
	s4 =	sadd.s32 $0x1600, s8;
	s8 =	simm.s32 $0x80  }
.LBB2_1:
0xb: {  	s11 =	simm.s32 @!p0 $0x0;
	s12 =	simm.s32 @!p0 $0x1480  }
0xc: {  	[tilespmem:s12], [sflag:$0x1] =	stream.linear.gather @!p0 [hbm4b:s3+s11], $0x2780, $0x38;
	[tilespmem:$0x3E78] =	vst v63  }
0xd: {  	s11 =	simm.s32 @!p0 $0x1  }
0xe: {  	_ =	swait.ge @!p0 [sflag:s11], $0x2780  }
0xf: {  	[sflag:s11] =	ssyncset.done @!p0 $0x0  }
0x10: {  	[sflag:s11] =	ssyncadd.s32 @!p0 $0xFFFFD880  }
0x11: {  	[spmem:s1] =	stream.linear.scatter @!p0 [tilespmem:s12], [sflag:$0x1], $0x2780, $0x38;
	[tilespmem:$0x3E78] =	vst v63  }
0x12: {  	_ =	swait.ge @!p0 [sflag:s11], $0x2780  }
0x13: {  	[sflag:s11] =	ssyncset.done @!p0 $0x0  }
0x14: {  	[sflag:s11] =	ssyncadd.s32 @!p0 $0xFFFFD880  }
0x15: {  	[tilespmem:$0x1400] =	vst v0  }
0x16: {  	[tilespmem:$0x1410] =	vst v0  }
0x17: {  	[tilespmem:$0x1420] =	vst v0  }
0x18: {  	[tilespmem:$0x1430] =	vst v0  }
0x19: {  	[tilespmem:$0x1440] =	vst v0  }
0x1a: {  	[tilespmem:$0x1450] =	vst v0  }
0x1b: {  	[tilespmem:$0x1460] =	vst v0  }
0x1c: {  	[tilespmem:$0x1470] =	vst v0  }
0x1d: {  	[tilespmem:s2], [sflag:$0x1] =	stream.linear.gather [hbm4b:s4+s2], $0x1400, $0x38;
	[tilespmem:$0x3E78] =	vst v63  }
0x1e: {  	_ =	swait.ge [sflag:s7], $0x1400  }
0x1f: {  	[sflag:s7] =	ssyncset.done $0x0  }
0x20: {  	[sflag:s7] =	ssyncadd.s32 $0xFFFFEC00  }
0x21: {  	s31 =	simm.s32 $0x0;
	[bflag:$0x0] =	sbarrier.arrive $0xFFFF  }
0x22: {  	[spmem:s1] =	stream.indirect.scatter.add.f32 [tilespmem:s9], [sflag:$0x1], $0x1, s31, s8, $0xb8;
	[tilespmem:$0x3E78] =	vst v63  }
0x23: {  	_ =	swait.ge [sflag:s7], $0x80  }
0x24: {  	s11 =	simm.s32 $0x200;
	[sflag:s7] =	ssyncset.done $0x0  }
.LBB2_2:
0x25: {  	s12 =	sshra.s32 s11, $0x2;
	[sflag:s7] =	ssyncadd.s32 $0xFFFFFF80;
	p1 =	sne.s32 s11, $0x4E00  }
0x26: {  	[spmem:s1] =	stream.indirect.scatter.add.f32 [tilespmem:s9], [sflag:$0x1], $0x1, s12, s8, $0xb8;
	[tilespmem:$0x3E78] =	vst v63  }
.Ltmp0:
0x27: {  	_ = 	snop;
	(pc) =	sbr.rel @p1 .LBB2_2-.Ltmp0, $4  }
0x28: {  	_ = 	snop  }
0x29: {  	s11 =	sadd.s32 $0x200, s11  }
0x2a: {  	_ =	swait.ge [sflag:s7], $0x80  }
0x2b: {  	[sflag:s7] =	ssyncset.done $0x0  }
0x2c: {  	[sflag:s7] =	ssyncadd.s32 $0xFFFFFF80  }
0x2d: {  	s11 =	simm.s32 @!p0 $0x1480;
	s12 =	simm.s32 @!p0 $0x1;
	[bflag:$0x0] =	sbarrier.arrive $0xFFFF  }
0x2e: {  	[tilespmem:s11], [sflag:$0x1] =	stream.linear.gather @!p0 [spmem:s1], $0x2780, $0x38;
	[tilespmem:$0x3E78] =	vst v63  }
0x2f: {  	s10 =	sadd.s32 $0x1, s10;
	_ =	swait.ge @!p0 [sflag:s12], $0x2780  }
0x30: {  	s13 =	simm.s32 @!p0 $0x80;
	p1 =	sne.s32 s10, s6;
	[sflag:s12] =	ssyncset.done @!p0 $0x0  }
.Ltmp1:
0x31: {  	s14 =	simm.s32 @!p0 $0x100;
	[sflag:s12] =	ssyncadd.s32 @!p0 $0xFFFFD880;
	(pc) =	sbr.rel @p1 .LBB2_1-.Ltmp1, $4  }
0x32: {  	[hbm4b:s5+s13] =	stream.strided.scatter @!p0 [tilespmem:s11], [sflag:$0x1], $0x2780, s14, s13, $0x38;
	[tilespmem:$0x3E78] =	vst v63  }
0x33: {  	_ =	swait.ge @!p0 [sflag:s12], $0x2780  }
0x34: {  	[sflag:s12] =	ssyncset.done @!p0 $0x0  }
0x35: {  	[sflag:s12] =	ssyncadd.s32 @!p0 $0xFFFFD880  }
0x36: {  	_ =	sfence.sel $0x180000  }
0x37: {  	[bflag:$0x0] =	sbarrier.arrive $0xFFFF  }
0x38: {  	_ =	strace $0x90000047  }
0x39: {  	s0 =	sadd.s32 @!p0 $0x100000, s0;
	[bflag:$0x2] =	sbarrier.arrive $0xFFFF  }
0x3a: {  	[sflag:s0] =	ssyncadd.tile.s32 @!p0 $0x1;
	_ =	shalt  }
.Lfunc_end2:
_tile_overlayer_lowered:
.L_overlay_start_2:
0x3b: {  	(tag) =	ssettag $0x2  }
0x3c: {  	s0 =	rddreg [dreg:$0x0];
	s2 =	stileid.u32  }
0x3d: {  	s1 =	rddreg [dreg:$0x1];
	p0 =	sne.s32 s2, $0x0  }
0x3e: {  	s3 =	rddreg [dreg:$0x2];
	[bflag:$0x3] =	sbarrier.arrive $0xFFFF;
	s2 =	simm.s32 @!p0 $0x1C01  }
0x3f: {  	[timem:s3], [sflag:s2] =	dma.local @!p0 [hbm:s0], s1  }
0x40: {  	s0 =	simm.s32 @!p0 $0x1  }
0x41: {  	_ =	swait.ge @!p0 [sflag:s0], s1  }
0x42: {  	s1 =	ssub.s32 @!p0 $0x0, s1;
	[sflag:s0] =	ssyncset.done @!p0 $0x0  }
0x43: {  	[sflag:s0] =	ssyncadd.s32 @!p0 s1  }
0x44: {  	[bflag:$0x3] =	sbarrier.arrive $0xFFFF  }
0x45: {  	_ =	shalt  }

// kernel: kernel.9.cloned.1.call-start
scs
__scs_entry_jumppad:
0x0: {  	(pc) =	sbr.rel $0x88, $3  }
0x1: {  	(tag) =	ssettag $0x0;
	lr =	simm.s32 $0x1  }
0x2: {  	[smem:$0x3F9C] =	sst lr;
	_ =	strace $0xD0000000  }
0x3: {  	_ = 	snop  }
0x4: {  	_ = 	snop  }
0x5: {  	_ = 	snop  }
0x6: {  	_ = 	snop  }
0x7: {  	_ = 	snop  }
__scs_overlays_trampoline_lowered:
0x8: {  	[smem:$0x3FAB] =	sst s0  }
0x9: {  	[smem:$0x3FAC] =	sst s1  }
0xa: {  	[smem:$0x3FAD] =	sst s2  }
0xb: {  	[smem:$0x3FAE] =	sst s3  }
0xc: {  	[smem:$0x3FAF] =	sst s4  }
0xd: {  	[smem:$0x3FB0] =	sst s5  }
0xe: {  	[smem:$0x3FB1] =	sst s6  }
0xf: {  	[smem:$0x3FB2] =	sst s7  }
0x10: {  	[smem:$0x3FB3] =	sst s8  }
0x11: {  	[smem:$0x3FB4] =	sst s9;
	s0 =	simm.s32 @!p0 $0x0  }
0x12: {  	s1 =	sld [smem:$0x3F9A];
	s0 =	simm.s32 @p0 $0x1  }
0x13: {  	[smem:$0x3FB5] =	sst s0;
	s0 =	simm.s32 @!p1 $0x0  }
0x14: {  	s2 =	sld [smem:$0x3F99];
	s0 =	simm.s32 @p1 $0x1  }
0x15: {  	[smem:$0x3FB6] =	sst s0;
	s0 =	simm.s32 @!p2 $0x0  }
0x16: {  	s3 =	sld [smem:$0x3FDB];
	s0 =	simm.s32 @p2 $0x1  }
0x17: {  	s4 =	simm.s32 $0x1BF5;
	[smem:$0x3FB8] =	sst s0  }
0x18: {  	s0 =	sld [smem:$0x3F9B];
	_ =	swait.ge [sflag:s4], $0x0  }
0x19: {  	s7 =	sld [smem:$0x3F9C]  }
0x1a: {  	s8 =	sadd.s32 $0xFFFFE003, lr  }
0x1b: {  	s9 =	sadd.s32 $0xFFFFFEF7, lr;
	s5 =	simm.s32 $0xFFFFFFFF;
	p2 =	slt.u32 s8, $0xFFFFF086  }
0x1c: {  	p1 =	slt.u32 s9, $0xF7A;
	s5 =	simm.s32 @!p2 $0x0  }
0x1d: {  	s5 =	simm.s32 @p1 $0x1;
	p0 =	seq.s32 s7, s2  }
0x1e: {  	s7 =	smul.u32 @!p0 $0xF7A, s2;
	p2 =	seq.s32 @!p0 s5, $0x0  }
0x1f: {  	s9 =	smul.u32 $0xF7A, s1;
	s8 =	simm.s32 @!p0 $0x1BF5;
	p2 =	por !p2, p0  }
0x20: {  	[sflag:s8] =	ssyncset.s32 @!p0 $0xFFFFF086;
	s6 =	sadd.s32 @!p0 s3, s7;
	s7 =	simm.s32 @!p0 $0x108  }
0x21: {  	s3 =	sadd.s32 s3, s9;
	s6 =	sadd.s32 @!p0 $0x88, s6;
	s7 =	simm.s32 @p2 $0x1082  }
0x22: {  	[simem:s7], [sflag:s8] =	dma.local @!p0 [hbm:s6], $0xF7A  }
0x23: {  	s9 =	sor.u32 $0xD0000000, s2;
	s6 =	simm.s32 $0x108;
	_ =	swait.ge @!p0 [sflag:s8], $0x0  }
0x24: {  	s3 =	sadd.s32 $0x88, s3;
	s6 =	simm.s32 @!p1 $0x1082;
	[sflag:s4] =	ssyncset.s32 $0xFFFFF086  }
0x25: {  	[simem:s6], [sflag:s4] =	dma.local [hbm:s3], $0xF7A  }
0x26: {  	[smem:$0x3F9C] =	sst s1;
	(tag) =	ssettag s2;
	_ =	strace s9  }
0x27: {  	s1 =	sld [smem:$0x3FAC]  }
0x28: {  	s2 =	sld [smem:$0x3FAD]  }
0x29: {  	s4 =	sld [smem:$0x3FAF]  }
0x2a: {  	p0 =	seq.s32 s5, $0x0;
	s5 =	sld [smem:$0x3FB0]  }
0x2b: {  	s6 =	sld [smem:$0x3FB1]  }
0x2c: {  	s7 =	sld [smem:$0x3FB2]  }
0x2d: {  	s3 =	simm.s32 $0x108;
	s8 =	sld [smem:$0x3FB3]  }
0x2e: {  	s3 =	simm.s32 @!p0 $0x1082;
	s9 =	sld [smem:$0x3FB4]  }
0x2f: {  	lr =	sadd.s32 s0, s3;
	s0 =	sld [smem:$0x3FAB]  }
0x30: {  	s3 =	sld [smem:$0x3FAE]  }
0x31: {  	[smem:$0x3FB7] =	sst s10  }
0x32: {  	s10 =	sld [smem:$0x3FB5];
	_ =	sdelay $0x3  }
0x33: {  	p0 =	seq.s32 s10, $0x1;
	s10 =	sld [smem:$0x3FB7];
	_ =	sdelay $0x3  }
0x34: {  	[smem:$0x3FB7] =	sst s10  }
0x35: {  	s10 =	sld [smem:$0x3FB6];
	_ =	sdelay $0x3  }
0x36: {  	p1 =	seq.s32 s10, $0x1;
	s10 =	sld [smem:$0x3FB7];
	_ =	sdelay $0x3  }
0x37: {  	[smem:$0x3FB7] =	sst s10  }
0x38: {  	s10 =	sld [smem:$0x3FB8]  }
0x39: {  	_ = 	snop;
	(pc) =	sbr.ind lr, $3  }
0x3a: {  	_ = 	snop  }
0x3b: {  	_ = 	snop  }
0x3c: {  	p2 =	seq.s32 s10, $0x1;
	s10 =	sld [smem:$0x3FB7]  }
0x3d: {  	_ =	shalt  }
0x3e: {  	_ =	shalt  }
0x3f: {  	_ =	shalt  }
0x40: {  	_ =	shalt  }
0x41: {  	_ =	shalt  }
0x42: {  	_ =	shalt  }
0x43: {  	_ =	shalt  }
0x44: {  	_ =	shalt  }
0x45: {  	_ =	shalt  }
0x46: {  	_ =	shalt  }
0x47: {  	_ =	shalt  }
0x48: {  	_ =	shalt  }
0x49: {  	_ =	shalt  }
0x4a: {  	_ =	shalt  }
0x4b: {  	_ =	shalt  }
0x4c: {  	_ =	shalt  }
0x4d: {  	_ =	shalt  }
0x4e: {  	_ =	shalt  }
0x4f: {  	_ =	shalt  }
0x50: {  	_ =	shalt  }
0x51: {  	_ =	shalt  }
0x52: {  	_ =	shalt  }
0x53: {  	_ =	shalt  }
0x54: {  	_ =	shalt  }
0x55: {  	_ =	shalt  }
0x56: {  	_ =	shalt  }
0x57: {  	_ =	shalt  }
0x58: {  	_ =	shalt  }
0x59: {  	_ =	shalt  }
0x5a: {  	_ =	shalt  }
0x5b: {  	_ =	shalt  }
0x5c: {  	_ =	shalt  }
0x5d: {  	_ =	shalt  }
0x5e: {  	_ =	shalt  }
0x5f: {  	_ =	shalt  }
0x60: {  	_ =	shalt  }
0x61: {  	_ =	shalt  }
0x62: {  	_ =	shalt  }
0x63: {  	_ =	shalt  }
0x64: {  	_ =	shalt  }
0x65: {  	_ =	shalt  }
0x66: {  	_ =	shalt  }
0x67: {  	_ =	shalt  }
0x68: {  	_ =	shalt  }
0x69: {  	_ =	shalt  }
0x6a: {  	_ =	shalt  }
0x6b: {  	_ =	shalt  }
0x6c: {  	_ =	shalt  }
0x6d: {  	_ =	shalt  }
0x6e: {  	_ =	shalt  }
0x6f: {  	_ =	shalt  }
0x70: {  	_ =	shalt  }
0x71: {  	_ =	shalt  }
0x72: {  	_ =	shalt  }
0x73: {  	_ =	shalt  }
0x74: {  	_ =	shalt  }
0x75: {  	_ =	shalt  }
0x76: {  	_ =	shalt  }
0x77: {  	_ =	shalt  }
0x78: {  	_ =	shalt  }
0x79: {  	_ =	shalt  }
0x7a: {  	_ =	shalt  }
0x7b: {  	_ =	shalt  }
0x7c: {  	_ =	shalt  }
0x7d: {  	_ =	shalt  }
0x7e: {  	_ =	shalt  }
0x7f: {  	_ =	shalt  }
0x80: {  	_ =	shalt  }
0x81: {  	_ =	shalt  }
0x82: {  	_ =	shalt  }
0x83: {  	_ =	shalt  }
0x84: {  	_ =	shalt  }
0x85: {  	_ =	shalt  }
0x86: {  	_ =	shalt  }
0x87: {  	_ =	shalt  }
.Lfunc_end0:
.L_simem_size_0:
called_computation.1_lowered:
.L_overlay_start_0:
0x88: {  	s2 =	sld [smem:$0x3FD9]  }
0x89: {  	s3 =	sld [smem:$0x3FFE];
	_ =	sdelay $0x1  }
0x8a: {  	s1 =	srdreg.scid  }
0x8b: {  	s0 =	sand.u32 $0x1, s1  }
0x8c: {  	s16 =	sshll.u32 s0, $0xA;
	s2 =	sadd.s32 s3, s2  }
0x8d: {  	s2 =	sadd.s32 s2, s16  }
0x8e: {  	[smem:$0x3FC3] =	sst s2  }
0x8f: {  	_ = 	snop  }
0x90: {  	(tm) =	ssettm $0x1  }
0x91: {  	s17 =	sld [smem:$0x3FFB];
	_ =	sdelay $0x3  }
0x92: {  	_ =	strace s17  }
0x93: {  	s2 =	sld [smem:$0x3FFC];
	_ =	sdelay $0x3  }
0x94: {  	_ =	strace s2  }
0x95: {  	s2 =	sld [smem:$0x3FFD];
	_ =	sdelay $0x3  }
0x96: {  	_ =	strace s2  }
0x97: {  	_ =	strace $0x8FFFFFFF  }
0x98: {  	s18 =	sld [smem:$0x3FDB];
	_ =	sdelay $0x1  }
0x99: {  	s19 =	simm.s32 $_scs_section_size  }
0x9a: {  	s4 =	simm.s32 $_size__tile_overlayer_lowered;
	s5 =	simm.s32 $_tile_overlayer_lowered  }
0x9b: {  	s22 =	simm.s32 $0x1BFF;
	s21 =	sshll.u32 s5, $0x1;
	s2 =	sadd.s32 s19, s18  }
0x9c: {  	s6 =	simm.s32 $0x0;
	s20 =	sshll.u32 s4, $0x1;
	s4 =	sadd.s32 s21, s2  }
0x9d: {  	[timem:s6], [sflag:s22] =	dma.local [hbm:s4], s20  }
0x9e: {  	_ =	swait.ge [sflag:s22], s20  }
0x9f: {  	s3 =	ssub.s32 $0x0, s20;
	[sflag:s22] =	ssyncset.done $0x0  }
0xa0: {  	[sflag:s22] =	ssyncadd.s32 s3;
	_ =	sdelay $0x1  }
0xa1: {  	s23 =	simm.s32 $0x1B8B  }
0xa2: {  	_ =	swait.ge [sflag:s23], $0x1  }
0xa3: {  	[sflag:s23] =	ssyncset.done $0x0  }
0xa4: {  	s25 =	simm.s32 $0x1B8E;
	s24 =	sld [smem:$0x3FFE];
	[sflag:s23] =	ssyncadd.s32 $0xFFFFFFFF  }
0xa5: {  	s26 =	simm.s32 $execute0_lowered;
	[smem:$0x3FD2] =	sst s25  }
0xa6: {  	s4 =	sshll.u32 s26, $0x1;
	_ =	strace $0x80000049;
	[dreg:$0x1] =	wrdreg $0xFFFFFFFF  }
0xa7: {  	s28 =	simm.s32 $_size_execute0_lowered;
	s2 =	sadd.s32 s2, s4;
	[dreg:$0x0] =	wrdreg $0x0  }
0xa8: {  	s4 =	sshll.u32 s28, $0x1;
	[dreg:$0x2] =	wrdreg s2  }
0xa9: {  	[dreg:$0x3] =	wrdreg s4  }
0xaa: {  	[dreg:$0x4] =	wrdreg $0xC0  }
0xab: {  	_ =	task [dreg:s6], $0x5FFFF  }
0xac: {  	[dreg:$0x1] =	wrdreg $0xFFFFFFFF  }
0xad: {  	[dreg:$0x0] =	wrdreg $0x60  }
0xae: {  	[dreg:$0x2] =	wrdreg s24  }
0xaf: {  	[dreg:$0x3] =	wrdreg $0xA8000  }
0xb0: {  	[dreg:$0x4] =	wrdreg $0x9  }
0xb1: {  	_ =	task.clear_ibuf [dreg:s6], $0x5FFFF;
	_ =	strace $0x90000049  }
0xb2: {  	s29 =	simm.s32 $0x9;
	_ =	strace $0x8000004B  }
0xb3: {  	_ =	swait.ge [sflag:s29], $0x1  }
0xb4: {  	[sflag:s29] =	ssyncadd.s32 $0xFFFFFFFF  }
0xb5: {  	_ =	strace $0x9000004B  }
0xb6: {  	_ =	sfence  }
0xb7: {  	s30 =	sld [smem:$0x0];
	_ =	sdelay $0x2  }
0xb8: {  	s31 =	sshll.u32 s1, $0xD;
	s1 =	sshrl.u32 s1, $0x2  }
0xb9: {  	s3 =	sand.u32 $0x4000, s31;
	s1 =	sadd.s32 s1, s30  }
0xba: {  	s0 =	sor.u32 s3, s0;
	s1 =	sshll.u32 s1, $0x11  }
0xbb: {  	s0 =	sor.u32 s1, s0  }
0xbc: {  	s0 =	sadd.s32 $0x8F2B, s0  }
0xbd: {  	[sflag:s0] =	ssyncadd.remote.s32 $0x1  }
0xbe: {  	_ =	sfence.sel $0xFFFF  }
0xbf: {  	[dreg:$0x0] =	wrdreg $0xFFFFFFFF;
	(pc) =	sbr.abs _section_cstart, $3  }
0xc0: {  	[dreg:$0x1] =	wrdreg $0xFFFFFFFF  }
0xc1: {  	_ =	task.clear_ibuf [dreg:s6], $0x2FFFF;
	_ =	strace $0x9FFFFFFF  }
0xc2: {  	(tm) =	ssettm $0x7FFFFFFF  }
0xc3: {  	_ =	shalt  }
tec
execute0_lowered:
.L_overlay_start_1:
0x0: {  	(tag) =	ssettag $0x1  }
0x1: {  	s0 =	srdreg.scid  }
0x2: {  	s1 =	rddreg [dreg:$0x0];
	s10 =	stileid.u32  }
0x3: {  	s2 =	rddreg [dreg:$0x1];
	s5 =	smul.u32 $0x50, s10  }
0x4: {  	s3 =	simm.s32 $0x0;
	s28 =	simm.s32 $0x1;
	s6 =	smul.u32 $0x4F000, s10  }
0x5: {  	s29 =	simm.s32 $0x2;
	s30 =	simm.s32 $0x1380;
	s14 =	smul.u32 $0x13C00, s10  }
0x6: {  	s31 =	simm.s32 $0x2700;
	s0 =	sand.u32 $0x1, s0;
	s12 =	smul.u32 $0x500, s10  }
0x7: {  	[smem:$0x7FF] =	sst s3;
	s11 =	sadd.s32 $0x1600, s1;
	s16 =	smul.u32 $0x2800, s10  }
0x8: {  	s8 =	sadd.s32 $0x5EE00, s1;
	s4 =	smul.u32 $0x500, s0;
	_ =	strace $0x8000004A  }
0x9: {  	s7 =	ssub.s32 $0x2, s0;
	[dreg:$0x3] =	wrdreg s8;
	s0 =	smul.u32 $0x13C000, s0  }
0xa: {  	s15 =	sshrl.u32 s7, $0x1;
	s6 =	sshrl.u32 s6, $0x2;
	s17 =	sadd.s32 $0x8000, s14  }
0xb: {  	s18 =	sadd.s32 $0xC000, s14;
	s19 =	sadd.s32 $0x10000, s14;
	s12 =	sadd.s32 s11, s12  }
0xc: {  	s16 =	sshrl.u32 s16, $0x3;
	s4 =	sadd.s32 s5, s4;
	s20 =	ssub.s32 s7, s15  }
0xd: {  	s15 =	sadd.s32 $0x4000, s14;
	s6 =	sadd.s32 s6, s2;
	s8 =	sadd.s32 s17, s2  }
0xe: {  	s9 =	sadd.s32 s18, s2;
	s10 =	sadd.s32 s19, s2;
	[dreg:$0x5] =	wrdreg s12  }
0xf: {  	s21 =	sadd.s32 s14, s0;
	s24 =	sadd.s32 s0, s17;
	s25 =	sadd.s32 s0, s18  }
0x10: {  	s5 =	sshll.u32 s4, $0x4;
	s4 =	sadd.s32 $0x10C00, s1;
	s7 =	sadd.s32 s15, s2  }
0x11: {  	s15 =	sadd.s32 s0, s15;
	s22 =	sshrl.u32 s21, $0x3;
	s0 =	sadd.s32 s0, s19  }
0x12: {  	s26 =	sshrl.u32 s25, $0x3;
	s20 =	smax.u32 s20, $0x1;
	s21 =	simm.s32 $0x2800  }
0x13: {  	s25 =	simm.s32 $0x80;
	s5 =	sadd.s32 s5, s1;
	s1 =	sadd.s32 $0x5F600, s1  }
0x14: {  	s23 =	sshrl.u32 s15, $0x3;
	s0 =	sshrl.u32 s0, $0x3;
	s13 =	sadd.s32 $0x6C00, s5  }
0x15: {  	s5 =	sadd.s32 $0x6E80, s5;
	s15 =	sadd.s32 s1, s22;
	s18 =	sadd.s32 s1, s26  }
0x16: {  	s19 =	sadd.s32 s1, s0;
	s22 =	simm.s32 $0x4;
	s26 =	simm.s32 $0x6800  }
0x17: {  	s0 =	simm.s32 $0x0;
	[dreg:$0x6] =	wrdreg s5;
	s5 =	sadd.s32 s11, s16  }
0x18: {  	[dreg:$0x4] =	wrdreg s13;
	s16 =	sadd.s32 s1, s23;
	s5 =	sadd.s32 $0x280, s5  }
0x19: {  	s23 =	simm.s32 $0x3;
	[dreg:$0x7] =	wrdreg s5;
	s5 =	sshrl.u32 s24, $0x3  }
0x1a: {  	s24 =	simm.s32 $0x1400;
	s17 =	sadd.s32 s1, s5;
	s1 =	simm.s32 $0x2780  }
.LBB2_1:
0x1b: {  	s5 =	rddreg [dreg:$0x3]  }
0x1c: {  	[tilespmem:s21], [sflag:$0x4] =	stream.linear.gather [hbm4b:s5+s3], $0x4000, $0x38;
	[tilespmem:$0x1E400] =	vst v63  }
0x1d: {  	_ =	swait.ge [sflag:s22], $0x4000  }
0x1e: {  	[sflag:s22] =	ssyncset.done $0x0  }
0x1f: {  	[sflag:s22] =	ssyncadd.s32 $0xFFFFC000  }
0x20: {  	[spmem:s6] =	stream.linear.scatter [tilespmem:s21], [sflag:$0x3], $0x4000, $0x38;
	[tilespmem:$0x1E400] =	vst v63  }
0x21: {  	_ = 	snop  }
0x22: {  	[spmem:s7] =	stream.linear.scatter [tilespmem:s21], [sflag:$0x3], $0x4000, $0x38;
	[tilespmem:$0x1E400] =	vst v63  }
0x23: {  	_ = 	snop  }
0x24: {  	[spmem:s8] =	stream.linear.scatter [tilespmem:s21], [sflag:$0x3], $0x4000, $0x38;
	[tilespmem:$0x1E400] =	vst v63  }
0x25: {  	_ = 	snop  }
0x26: {  	[spmem:s9] =	stream.linear.scatter [tilespmem:s21], [sflag:$0x3], $0x4000, $0x38;
	[tilespmem:$0x1E400] =	vst v63  }
0x27: {  	_ = 	snop  }
0x28: {  	[spmem:s10] =	stream.linear.scatter [tilespmem:s21], [sflag:$0x3], $0x3C00, $0x38;
	[tilespmem:$0x1E400] =	vst v63  }
0x29: {  	_ =	swait.ge [sflag:s23], $0x4000  }
0x2a: {  	[sflag:s23] =	ssyncset.done $0x0  }
0x2b: {  	[sflag:s23] =	ssyncadd.s32 $0xFFFFC000  }
0x2c: {  	_ =	swait.ge [sflag:s23], $0x4000  }
0x2d: {  	[sflag:s23] =	ssyncset.done $0x0  }
0x2e: {  	[sflag:s23] =	ssyncadd.s32 $0xFFFFC000  }
0x2f: {  	_ =	swait.ge [sflag:s23], $0x4000  }
0x30: {  	[sflag:s23] =	ssyncset.done $0x0  }
0x31: {  	[sflag:s23] =	ssyncadd.s32 $0xFFFFC000  }
0x32: {  	_ =	swait.ge [sflag:s23], $0x4000  }
0x33: {  	[sflag:s23] =	ssyncset.done $0x0  }
0x34: {  	[sflag:s23] =	ssyncadd.s32 $0xFFFFC000  }
0x35: {  	_ =	swait.ge [sflag:s23], $0x3C00  }
0x36: {  	[sflag:s23] =	ssyncset.done $0x0  }
0x37: {  	[sflag:s23] =	ssyncadd.s32 $0xFFFFC400  }
0x38: {  	[bflag:$0x0] =	sbarrier.arrive $0xFFFF  }
0x39: {  	s13 =	rddreg [dreg:$0x4]  }
0x3a: {  	[tilespmem:s3], [sflag:$0x4] =	stream.linear.gather [hbm4b:s13+s3], $0x1400, $0x38;
	[tilespmem:$0x1E400] =	vst v63  }
0x3b: {  	_ =	swait.ge [sflag:s22], $0x1400  }
0x3c: {  	[sflag:s22] =	ssyncset.done $0x0  }
0x3d: {  	s14 =	rddreg [dreg:$0x5];
	[sflag:s22] =	ssyncadd.s32 $0xFFFFEC00  }
0x3e: {  	[tilespmem:s24], [sflag:$0x4] =	stream.linear.gather [hbm4b:s14+s3], $0x1400, $0x38;
	[tilespmem:$0x1E400] =	vst v63  }
0x3f: {  	_ =	swait.ge [sflag:s22], $0x1400  }
0x40: {  	[sflag:s22] =	ssyncset.done $0x0  }
0x41: {  	[sflag:s22] =	ssyncadd.s32 $0xFFFFEC00  }
0x42: {  	[tilespmem:s21], [sflag:$0x1] =	stream.indirect.gather [hbm4b:s4+s25], $0x80, s3, s25, $0xb8;
	[tilespmem:$0x1E400] =	vst v63  }
0x43: {  	s11 =	simm.s32 $0x80  }
0x44: {  	[tilespmem:s26], [sflag:$0x2] =	stream.indirect.gather [hbm4b:s4+s25], $0x80, s11, s25, $0xb8;
	[tilespmem:$0x1E400] =	vst v63  }
0x45: {  	_ =	swait.ge [sflag:s28], $0x4000  }
0x46: {  	[sflag:s28] =	ssyncset.done $0x0  }
0x47: {  	s12 =	simm.s32 $0x1400;
	[sflag:s28] =	ssyncadd.s32 $0xFFFFC000  }
0x48: {  	[spmem:s2] =	stream.indirect.scatter.add.f32 [tilespmem:s21], [sflag:$0x4], $0x80, s12, s25, $0xb8;
	[tilespmem:$0x1E400] =	vst v63  }
0x49: {  	_ =	swait.ge [sflag:s22], $0x4000  }
0x4a: {  	[sflag:s22] =	ssyncset.done $0x0  }
0x4b: {  	s13 =	simm.s32 $0x100;
	[sflag:s22] =	ssyncadd.s32 $0xFFFFC000  }
0x4c: {  	[tilespmem:s21], [sflag:$0x1] =	stream.indirect.gather [hbm4b:s4+s25], $0x80, s13, s25, $0xb8;
	[tilespmem:$0x1E400] =	vst v63  }
0x4d: {  	_ =	swait.ge [sflag:s29], $0x4000  }
0x4e: {  	[sflag:s29] =	ssyncset.done $0x0  }
0x4f: {  	s14 =	simm.s32 $0x1480;
	[sflag:s29] =	ssyncadd.s32 $0xFFFFC000  }
0x50: {  	[spmem:s2] =	stream.indirect.scatter.add.f32 [tilespmem:s26], [sflag:$0x4], $0x80, s14, s25, $0xb8;
	[tilespmem:$0x1E400] =	vst v63  }
0x51: {  	_ =	swait.ge [sflag:s22], $0x4000  }
0x52: {  	s5 =	simm.s32 $0x100;
	s11 =	simm.s32 $0x800;
	[sflag:s22] =	ssyncset.done $0x0  }
.LBB2_2:
0x53: {  	s12 =	sadd.s32 $0x80, s5  }
0x54: {  	[sflag:s22] =	ssyncadd.s32 $0xFFFFC000;
	s13 =	smov.u32 s11;
	s14 =	sadd.s32 $0x400, s11  }
0x55: {  	[tilespmem:s26], [sflag:$0x2] =	stream.indirect.gather [hbm4b:s4+s25], $0x80, s12, s25, $0xb8;
	[tilespmem:$0x1E400] =	vst v63  }
0x56: {  	p0 =	sne.s32 s11, $0x4800;
	_ =	swait.ge [sflag:s28], $0x4000  }
0x57: {  	[sflag:s28] =	ssyncset.done $0x0  }
0x58: {  	s11 =	sadd.s32 $0x1400, s5;
	[sflag:s28] =	ssyncadd.s32 $0xFFFFC000  }
0x59: {  	[spmem:s2] =	stream.indirect.scatter.add.f32 [tilespmem:s21], [sflag:$0x4], $0x80, s11, s25, $0xb8;
	[tilespmem:$0x1E400] =	vst v63  }
0x5a: {  	_ =	swait.ge [sflag:s22], $0x4000  }
0x5b: {  	[sflag:s22] =	ssyncset.done $0x0  }
0x5c: {  	s11 =	sadd.s32 $0x100, s5;
	[sflag:s22] =	ssyncadd.s32 $0xFFFFC000  }
0x5d: {  	[tilespmem:s21], [sflag:$0x1] =	stream.indirect.gather [hbm4b:s4+s25], $0x80, s11, s25, $0xb8;
	[tilespmem:$0x1E400] =	vst v63  }
0x5e: {  	_ =	swait.ge [sflag:s29], $0x4000  }
.Ltmp0:
0x5f: {  	[sflag:s29] =	ssyncset.done $0x0;
	(pc) =	sbr.rel @p0 .LBB2_2-.Ltmp0, $4  }
0x60: {  	s5 =	sadd.s32 $0x1480, s5;
	[sflag:s29] =	ssyncadd.s32 $0xFFFFC000  }
0x61: {  	[spmem:s2] =	stream.indirect.scatter.add.f32 [tilespmem:s26], [sflag:$0x4], $0x80, s5, s25, $0xb8;
	[tilespmem:$0x1E400] =	vst v63  }
0x62: {  	_ =	swait.ge [sflag:s22], $0x4000  }
0x63: {  	s11 =	smov.u32 s14;
	s5 =	sshra.s32 s13, $0x2;
	[sflag:s22] =	ssyncset.done $0x0  }
0x64: {  	s11 =	sadd.s32 $0x80, s5;
	[sflag:s22] =	ssyncadd.s32 $0xFFFFC000  }
0x65: {  	[tilespmem:s26], [sflag:$0x2] =	stream.indirect.gather [hbm4b:s4+s25], $0x80, s11, s25, $0xb8;
	[tilespmem:$0x1E400] =	vst v63  }
0x66: {  	_ =	swait.ge [sflag:s28], $0x4000  }
0x67: {  	[sflag:s28] =	ssyncset.done $0x0  }
0x68: {  	s13 =	sadd.s32 $0x1400, s5;
	[sflag:s28] =	ssyncadd.s32 $0xFFFFC000  }
0x69: {  	[spmem:s2] =	stream.indirect.scatter.add.f32 [tilespmem:s21], [sflag:$0x4], $0x80, s13, s25, $0xb8;
	[tilespmem:$0x1E400] =	vst v63  }
0x6a: {  	_ =	swait.ge [sflag:s22], $0x4000  }
0x6b: {  	[sflag:s22] =	ssyncset.done $0x0  }
0x6c: {  	s14 =	sadd.s32 $0x100, s5;
	[sflag:s22] =	ssyncadd.s32 $0xFFFFC000  }
0x6d: {  	[tilespmem:s21], [sflag:$0x1] =	stream.indirect.gather [hbm4b:s4+s25], $0x80, s14, s25, $0xb8;
	[tilespmem:$0x1E400] =	vst v63  }
0x6e: {  	_ =	swait.ge [sflag:s29], $0x4000  }
0x6f: {  	[sflag:s29] =	ssyncset.done $0x0  }
0x70: {  	s11 =	sadd.s32 $0x1480, s5;
	[sflag:s29] =	ssyncadd.s32 $0xFFFFC000  }
0x71: {  	[spmem:s2] =	stream.indirect.scatter.add.f32 [tilespmem:s26], [sflag:$0x4], $0x80, s11, s25, $0xb8;
	[tilespmem:$0x1E400] =	vst v63  }
0x72: {  	_ =	swait.ge [sflag:s22], $0x4000  }
0x73: {  	[sflag:s22] =	ssyncset.done $0x0  }
0x74: {  	[sflag:s22] =	ssyncadd.s32 $0xFFFFC000  }
0x75: {  	[tilespmem:s26], [sflag:$0x2] =	stream.indirect.gather [hbm4b:s4+s25], $0x80, s30, s25, $0xb8;
	[tilespmem:$0x1E400] =	vst v63  }
0x76: {  	_ =	swait.ge [sflag:s28], $0x4000  }
0x77: {  	[sflag:s28] =	ssyncset.done $0x0  }
0x78: {  	[sflag:s28] =	ssyncadd.s32 $0xFFFFC000  }
0x79: {  	[spmem:s2] =	stream.indirect.scatter.add.f32 [tilespmem:s21], [sflag:$0x4], $0x80, s31, s25, $0xb8;
	[tilespmem:$0x1E400] =	vst v63  }
0x7a: {  	_ =	swait.ge [sflag:s22], $0x4000  }
0x7b: {  	[sflag:s22] =	ssyncset.done $0x0  }
0x7c: {  	[sflag:s22] =	ssyncadd.s32 $0xFFFFC000  }
0x7d: {  	_ =	swait.ge [sflag:s29], $0x4000  }
0x7e: {  	[sflag:s29] =	ssyncset.done $0x0  }
0x7f: {  	[sflag:s29] =	ssyncadd.s32 $0xFFFFC000  }
0x80: {  	[spmem:s2] =	stream.indirect.scatter.add.f32 [tilespmem:s26], [sflag:$0x4], $0x80, s1, s25, $0xb8;
	[tilespmem:$0x1E400] =	vst v63  }
0x81: {  	_ =	swait.ge [sflag:s22], $0x4000  }
0x82: {  	[sflag:s22] =	ssyncset.done $0x0  }
0x83: {  	s12 =	simm.s32 $0x0;
	s13 =	rddreg [dreg:$0x6];
	[sflag:s22] =	ssyncadd.s32 $0xFFFFC000  }
0x84: {  	[tilespmem:s12], [sflag:$0x4] =	stream.linear.gather [hbm4b:s13+s12], $0x1400, $0x38;
	[tilespmem:$0x1E400] =	vst v63  }
0x85: {  	_ =	swait.ge [sflag:s22], $0x1400  }
0x86: {  	[sflag:s22] =	ssyncset.done $0x0  }
0x87: {  	s14 =	rddreg [dreg:$0x7];
	[sflag:s22] =	ssyncadd.s32 $0xFFFFEC00  }
0x88: {  	[tilespmem:s24], [sflag:$0x4] =	stream.linear.gather [hbm4b:s14+s12], $0x1400, $0x38;
	[tilespmem:$0x1E400] =	vst v63  }
0x89: {  	_ =	swait.ge [sflag:s22], $0x1400  }
0x8a: {  	[sflag:s22] =	ssyncset.done $0x0  }
0x8b: {  	[sflag:s22] =	ssyncadd.s32 $0xFFFFEC00  }
0x8c: {  	[tilespmem:s21], [sflag:$0x1] =	stream.indirect.gather [hbm4b:s4+s25], $0x80, s12, s25, $0xb8;
	[tilespmem:$0x1E400] =	vst v63  }
0x8d: {  	s11 =	simm.s32 $0x80  }
0x8e: {  	[tilespmem:s26], [sflag:$0x2] =	stream.indirect.gather [hbm4b:s4+s25], $0x80, s11, s25, $0xb8;
	[tilespmem:$0x1E400] =	vst v63  }
0x8f: {  	_ =	swait.ge [sflag:s28], $0x4000  }
0x90: {  	[sflag:s28] =	ssyncset.done $0x0  }
0x91: {  	s12 =	simm.s32 $0x1400;
	[sflag:s28] =	ssyncadd.s32 $0xFFFFC000  }
0x92: {  	[spmem:s2] =	stream.indirect.scatter.add.f32 [tilespmem:s21], [sflag:$0x4], $0x80, s12, s25, $0xb8;
	[tilespmem:$0x1E400] =	vst v63  }
0x93: {  	_ =	swait.ge [sflag:s22], $0x4000  }
0x94: {  	[sflag:s22] =	ssyncset.done $0x0  }
0x95: {  	s13 =	simm.s32 $0x100;
	[sflag:s22] =	ssyncadd.s32 $0xFFFFC000  }
0x96: {  	[tilespmem:s21], [sflag:$0x1] =	stream.indirect.gather [hbm4b:s4+s25], $0x80, s13, s25, $0xb8;
	[tilespmem:$0x1E400] =	vst v63  }
0x97: {  	_ =	swait.ge [sflag:s29], $0x4000  }
0x98: {  	[sflag:s29] =	ssyncset.done $0x0  }
0x99: {  	s14 =	simm.s32 $0x1480;
	[sflag:s29] =	ssyncadd.s32 $0xFFFFC000  }
0x9a: {  	[spmem:s2] =	stream.indirect.scatter.add.f32 [tilespmem:s26], [sflag:$0x4], $0x80, s14, s25, $0xb8;
	[tilespmem:$0x1E400] =	vst v63  }
0x9b: {  	_ =	swait.ge [sflag:s22], $0x4000  }
0x9c: {  	s5 =	simm.s32 $0x100;
	s11 =	simm.s32 $0x800;
	[sflag:s22] =	ssyncset.done $0x0  }
.LBB2_4:
0x9d: {  	s12 =	sadd.s32 $0x80, s5  }
0x9e: {  	[sflag:s22] =	ssyncadd.s32 $0xFFFFC000;
	s13 =	smov.u32 s11;
	s14 =	sadd.s32 $0x400, s11  }
0x9f: {  	[tilespmem:s26], [sflag:$0x2] =	stream.indirect.gather [hbm4b:s4+s25], $0x80, s12, s25, $0xb8;
	[tilespmem:$0x1E400] =	vst v63  }
0xa0: {  	p0 =	sne.s32 s11, $0x4800;
	_ =	swait.ge [sflag:s28], $0x4000  }
0xa1: {  	[sflag:s28] =	ssyncset.done $0x0  }
0xa2: {  	s11 =	sadd.s32 $0x1400, s5;
	[sflag:s28] =	ssyncadd.s32 $0xFFFFC000  }
0xa3: {  	[spmem:s2] =	stream.indirect.scatter.add.f32 [tilespmem:s21], [sflag:$0x4], $0x80, s11, s25, $0xb8;
	[tilespmem:$0x1E400] =	vst v63  }
0xa4: {  	_ =	swait.ge [sflag:s22], $0x4000  }
0xa5: {  	[sflag:s22] =	ssyncset.done $0x0  }
0xa6: {  	s11 =	sadd.s32 $0x100, s5;
	[sflag:s22] =	ssyncadd.s32 $0xFFFFC000  }
0xa7: {  	[tilespmem:s21], [sflag:$0x1] =	stream.indirect.gather [hbm4b:s4+s25], $0x80, s11, s25, $0xb8;
	[tilespmem:$0x1E400] =	vst v63  }
0xa8: {  	_ =	swait.ge [sflag:s29], $0x4000  }
.Ltmp1:
0xa9: {  	[sflag:s29] =	ssyncset.done $0x0;
	(pc) =	sbr.rel @p0 .LBB2_4-.Ltmp1, $4  }
0xaa: {  	s5 =	sadd.s32 $0x1480, s5;
	[sflag:s29] =	ssyncadd.s32 $0xFFFFC000  }
0xab: {  	[spmem:s2] =	stream.indirect.scatter.add.f32 [tilespmem:s26], [sflag:$0x4], $0x80, s5, s25, $0xb8;
	[tilespmem:$0x1E400] =	vst v63  }
0xac: {  	_ =	swait.ge [sflag:s22], $0x4000  }
0xad: {  	s11 =	smov.u32 s14;
	s5 =	sshra.s32 s13, $0x2;
	[sflag:s22] =	ssyncset.done $0x0  }
0xae: {  	s11 =	sadd.s32 $0x80, s5;
	[sflag:s22] =	ssyncadd.s32 $0xFFFFC000  }
0xaf: {  	[tilespmem:s26], [sflag:$0x2] =	stream.indirect.gather [hbm4b:s4+s25], $0x80, s11, s25, $0xb8;
	[tilespmem:$0x1E400] =	vst v63  }
0xb0: {  	_ =	swait.ge [sflag:s28], $0x4000  }
0xb1: {  	[sflag:s28] =	ssyncset.done $0x0  }
0xb2: {  	s12 =	sadd.s32 $0x1400, s5;
	[sflag:s28] =	ssyncadd.s32 $0xFFFFC000  }
0xb3: {  	[spmem:s2] =	stream.indirect.scatter.add.f32 [tilespmem:s21], [sflag:$0x4], $0x80, s12, s25, $0xb8;
	[tilespmem:$0x1E400] =	vst v63  }
0xb4: {  	_ =	swait.ge [sflag:s22], $0x4000  }
0xb5: {  	[sflag:s22] =	ssyncset.done $0x0  }
0xb6: {  	s13 =	sadd.s32 $0x100, s5;
	[sflag:s22] =	ssyncadd.s32 $0xFFFFC000  }
0xb7: {  	[tilespmem:s21], [sflag:$0x1] =	stream.indirect.gather [hbm4b:s4+s25], $0x80, s13, s25, $0xb8;
	[tilespmem:$0x1E400] =	vst v63  }
0xb8: {  	_ =	swait.ge [sflag:s29], $0x4000  }
0xb9: {  	[sflag:s29] =	ssyncset.done $0x0  }
0xba: {  	s14 =	sadd.s32 $0x1480, s5;
	[sflag:s29] =	ssyncadd.s32 $0xFFFFC000  }
0xbb: {  	[spmem:s2] =	stream.indirect.scatter.add.f32 [tilespmem:s26], [sflag:$0x4], $0x80, s14, s25, $0xb8;
	[tilespmem:$0x1E400] =	vst v63  }
0xbc: {  	_ =	swait.ge [sflag:s22], $0x4000  }
0xbd: {  	[sflag:s22] =	ssyncset.done $0x0  }
0xbe: {  	[sflag:s22] =	ssyncadd.s32 $0xFFFFC000  }
0xbf: {  	[tilespmem:s26], [sflag:$0x2] =	stream.indirect.gather [hbm4b:s4+s25], $0x80, s30, s25, $0xb8;
	[tilespmem:$0x1E400] =	vst v63  }
0xc0: {  	_ =	swait.ge [sflag:s28], $0x4000  }
0xc1: {  	[sflag:s28] =	ssyncset.done $0x0  }
0xc2: {  	[sflag:s28] =	ssyncadd.s32 $0xFFFFC000  }
0xc3: {  	[spmem:s2] =	stream.indirect.scatter.add.f32 [tilespmem:s21], [sflag:$0x4], $0x80, s31, s25, $0xb8;
	[tilespmem:$0x1E400] =	vst v63  }
0xc4: {  	_ =	swait.ge [sflag:s22], $0x4000  }
0xc5: {  	[sflag:s22] =	ssyncset.done $0x0  }
0xc6: {  	[sflag:s22] =	ssyncadd.s32 $0xFFFFC000  }
0xc7: {  	_ =	swait.ge [sflag:s29], $0x4000  }
0xc8: {  	[sflag:s29] =	ssyncset.done $0x0  }
0xc9: {  	[sflag:s29] =	ssyncadd.s32 $0xFFFFC000  }
0xca: {  	[spmem:s2] =	stream.indirect.scatter.add.f32 [tilespmem:s26], [sflag:$0x4], $0x80, s1, s25, $0xb8;
	[tilespmem:$0x1E400] =	vst v63  }
0xcb: {  	_ =	swait.ge [sflag:s22], $0x4000  }
0xcc: {  	[sflag:s22] =	ssyncset.done $0x0  }
0xcd: {  	[sflag:s22] =	ssyncadd.s32 $0xFFFFC000  }
0xce: {  	[bflag:$0x0] =	sbarrier.arrive $0xFFFF  }
0xcf: {  	[tilespmem:s21], [sflag:$0x4] =	stream.linear.gather [spmem:s6], $0x4000, $0x38;
	[tilespmem:$0x1E400] =	vst v63  }
0xd0: {  	_ =	swait.ge [sflag:s22], $0x4000  }
0xd1: {  	[sflag:s22] =	ssyncset.done $0x0  }
0xd2: {  	[sflag:s22] =	ssyncadd.s32 $0xFFFFC000  }
0xd3: {  	[hbm4b:s15+s3] =	stream.linear.scatter [tilespmem:s21], [sflag:$0x4], $0x4000, $0x38;
	[tilespmem:$0x1E400] =	vst v63  }
0xd4: {  	_ =	swait.ge [sflag:s22], $0x4000  }
0xd5: {  	[sflag:s22] =	ssyncset.done $0x0  }
0xd6: {  	[sflag:s22] =	ssyncadd.s32 $0xFFFFC000  }
0xd7: {  	[tilespmem:s21], [sflag:$0x4] =	stream.linear.gather [spmem:s7], $0x4000, $0x38;
	[tilespmem:$0x1E400] =	vst v63  }
0xd8: {  	_ =	swait.ge [sflag:s22], $0x4000  }
0xd9: {  	[sflag:s22] =	ssyncset.done $0x0  }
0xda: {  	[sflag:s22] =	ssyncadd.s32 $0xFFFFC000  }
0xdb: {  	[hbm4b:s16+s3] =	stream.linear.scatter [tilespmem:s21], [sflag:$0x4], $0x4000, $0x38;
	[tilespmem:$0x1E400] =	vst v63  }
0xdc: {  	_ =	swait.ge [sflag:s22], $0x4000  }
0xdd: {  	[sflag:s22] =	ssyncset.done $0x0  }
0xde: {  	[sflag:s22] =	ssyncadd.s32 $0xFFFFC000  }
0xdf: {  	[tilespmem:s21], [sflag:$0x4] =	stream.linear.gather [spmem:s8], $0x4000, $0x38;
	[tilespmem:$0x1E400] =	vst v63  }
0xe0: {  	_ =	swait.ge [sflag:s22], $0x4000  }
0xe1: {  	[sflag:s22] =	ssyncset.done $0x0  }
0xe2: {  	[sflag:s22] =	ssyncadd.s32 $0xFFFFC000  }
0xe3: {  	[hbm4b:s17+s3] =	stream.linear.scatter [tilespmem:s21], [sflag:$0x4], $0x4000, $0x38;
	[tilespmem:$0x1E400] =	vst v63  }
0xe4: {  	_ =	swait.ge [sflag:s22], $0x4000  }
0xe5: {  	[sflag:s22] =	ssyncset.done $0x0  }
0xe6: {  	[sflag:s22] =	ssyncadd.s32 $0xFFFFC000  }
0xe7: {  	[tilespmem:s21], [sflag:$0x4] =	stream.linear.gather [spmem:s9], $0x4000, $0x38;
	[tilespmem:$0x1E400] =	vst v63  }
0xe8: {  	_ =	swait.ge [sflag:s22], $0x4000  }
0xe9: {  	[sflag:s22] =	ssyncset.done $0x0  }
0xea: {  	[sflag:s22] =	ssyncadd.s32 $0xFFFFC000  }
0xeb: {  	[hbm4b:s18+s3] =	stream.linear.scatter [tilespmem:s21], [sflag:$0x4], $0x4000, $0x38;
	[tilespmem:$0x1E400] =	vst v63  }
0xec: {  	_ =	swait.ge [sflag:s22], $0x4000  }
0xed: {  	[sflag:s22] =	ssyncset.done $0x0  }
0xee: {  	[sflag:s22] =	ssyncadd.s32 $0xFFFFC000  }
0xef: {  	[tilespmem:s21], [sflag:$0x4] =	stream.linear.gather [spmem:s10], $0x3C00, $0x38;
	[tilespmem:$0x1E400] =	vst v63  }
0xf0: {  	s0 =	sadd.s32 $0x1, s0;
	_ =	swait.ge [sflag:s22], $0x3C00  }
0xf1: {  	p0 =	sne.s32 s0, s20;
	[sflag:s22] =	ssyncset.done $0x0  }
.Ltmp2:
0xf2: {  	[sflag:s22] =	ssyncadd.s32 $0xFFFFC400;
	(pc) =	sbr.rel @p0 .LBB2_1-.Ltmp2, $4  }
0xf3: {  	[hbm4b:s19+s3] =	stream.linear.scatter [tilespmem:s21], [sflag:$0x4], $0x3C00, $0x38;
	[tilespmem:$0x1E400] =	vst v63  }
0xf4: {  	_ =	swait.ge [sflag:s22], $0x3C00  }
0xf5: {  	[sflag:s22] =	ssyncset.done $0x0  }
0xf6: {  	[sflag:s22] =	ssyncadd.s32 $0xFFFFC400  }
0xf7: {  	_ =	sfence.sel $0x180000  }
0xf8: {  	[bflag:$0x0] =	sbarrier.arrive $0xFFFF  }
0xf9: {  	_ =	strace $0x9000004A  }
0xfa: {  	s0 =	stileid.u32;
	[bflag:$0x2] =	sbarrier.arrive $0xFFFF  }
0xfb: {  	p0 =	sne.s32 s0, $0x0;
	s0 =	rddreg [dreg:$0x2]  }
0xfc: {  	s0 =	sadd.s32 @!p0 $0x100000, s0  }
0xfd: {  	[sflag:s0] =	ssyncadd.tile.s32 @!p0 $0x1;
	_ =	shalt  }
.Lfunc_end2:
_tile_overlayer_lowered:
.L_overlay_start_2:
0xfe: {  	(tag) =	ssettag $0x2  }
0xff: {  	s0 =	rddreg [dreg:$0x0];
	s2 =	stileid.u32  }
0x100: {  	s1 =	rddreg [dreg:$0x1];
	p0 =	sne.s32 s2, $0x0  }
0x101: {  	s3 =	rddreg [dreg:$0x2];
	[bflag:$0x3] =	sbarrier.arrive $0xFFFF;
	s2 =	simm.s32 @!p0 $0x1C04  }
0x102: {  	[timem:s3], [sflag:s2] =	dma.local @!p0 [hbm:s0], s1  }
0x103: {  	s0 =	simm.s32 @!p0 $0x4  }
0x104: {  	_ =	swait.ge @!p0 [sflag:s0], s1  }
0x105: {  	s1 =	ssub.s32 @!p0 $0x0, s1;
	[sflag:s0] =	ssyncset.done @!p0 $0x0  }
0x106: {  	[sflag:s0] =	ssyncadd.s32 @!p0 s1  }
0x107: {  	[bflag:$0x3] =	sbarrier.arrive $0xFFFF  }
0x108: {  	_ =	shalt  }

</sc_bundles>
